<compile_context>
chip_gen: v7x
topology: tpu7x:2x2x1
jax: 0.10.2.dev20260603
libtpu: 0.0.44.dev20260713+nightly
codegen_flags: <defaults>
</compile_context>

<pallas_src>
import dataclasses
import functools

import numpy as np
import jax
import jax.numpy as jnp
from jax import lax
from jax.experimental import pallas as pl
from jax.experimental.pallas import tpu as pltpu
from jax.experimental.pallas import tpu_sc as plsc

_NJ = 14
_COL = 14
_HW = _COL * _COL
_B = 4096
_ROW = 3 * _NJ * _HW
_NIDX = 2 * _B * _NJ
_GRAN = 128


def _build_table() -> np.ndarray:
    x = np.arange(-4, 5)
    phi = np.exp(-0.5 * x * x)
    phi = phi / phi.sum()
    tab = np.zeros((_HW, _HW), np.float32)
    for yi in range(_COL):
        for xi in range(_COL):
            img = np.zeros((_COL, _COL))
            img[yi, xi] = 1.0
            p = np.pad(img, 4, mode="symmetric")
            h1 = np.array([np.convolve(r, phi, "valid") for r in p])
            h2 = np.array([np.convolve(c, phi, "valid") for c in h1.T]).T
            gmin = h2.min()
            gmax = h2.max()
            den = (gmax - gmin) or 1.0
            tab[yi * _COL + xi] = ((h2 - gmin) / den).reshape(-1)
    return tab


_T2_NP = _build_table()

_BB = 256


def _heat_body(x_ref, tx_ref, ty_ref, vx_ref, vy_ref, t2_ref,
               d1_ref, idx_ref, acc_ref):
    step = pl.program_id(0)
    nsteps = pl.num_programs(0)
    bb = x_ref.shape[0]

    tx = tx_ref[...]
    ty = ty_ref[...]
    vx = vx_ref[...]
    xi = (tx * _COL).astype(jnp.int32)
    yi = (ty * _COL).astype(jnp.int32)
    vis = vx == 1.0
    f = (xi >= 0) & (xi <= _COL - 1) & (yi >= 0) & (yi <= _COL - 1)
    active = vis & f
    tidx = jnp.clip(yi, 0, _COL - 1) * _COL + jnp.clip(xi, 0, _COL - 1)

    t2 = t2_ref[...]
    lane = jax.lax.broadcasted_iota(jnp.int32, (bb, _HW), 1)

    d1p = jnp.float32(0.0)
    idx_cols = []
    for j in range(_NJ):
        h = x_ref[:, 0, j, :]

        m = jnp.max(h, axis=-1, keepdims=True)
        idx = jnp.min(jnp.where(h == m, lane, _HW), axis=-1, keepdims=True)
        idx_cols.append(idx)

        act_j = active[:, j:j + 1]
        oh_t = (lane == tidx[:, j:j + 1]).astype(jnp.bfloat16)
        w = jnp.dot(oh_t, t2, preferred_element_type=jnp.float32)
        tt = jnp.where(act_j, w, 0.0)
        diff = h - tt
        diff = jnp.where((~act_j) & (lane < _COL), 0.0, diff)
        d1p += jnp.sum(diff * diff)

    idx_ref[...] = jnp.concatenate(idx_cols, axis=1)

    @pl.when(step == 0)
    def _():
        acc_ref[0] = d1p

    @pl.when(step != 0)
    def _():
        acc_ref[0] += d1p

    @pl.when(step == nsteps - 1)
    def _():
        d1_ref[...] = jnp.full((1, 1), acc_ref[0], jnp.float32)


def _heat_call(x4, tx, ty, vx, vy):
    b = x4.shape[0]
    grid = (b // _BB,)
    return pl.pallas_call(
        _heat_body,
        grid=grid,
        in_specs=[
            pl.BlockSpec((_BB, 1, _NJ, _HW), lambda i: (i, 0, 0, 0)),
            pl.BlockSpec((_BB, _NJ), lambda i: (i, 0)),
            pl.BlockSpec((_BB, _NJ), lambda i: (i, 0)),
            pl.BlockSpec((_BB, _NJ), lambda i: (i, 0)),
            pl.BlockSpec((_BB, _NJ), lambda i: (i, 0)),
            pl.BlockSpec((_HW, _HW), lambda i: (0, 0)),
        ],
        out_specs=[
            pl.BlockSpec((1, 1), lambda i: (0, 0)),
            pl.BlockSpec((_BB, _NJ), lambda i: (i, 0)),
        ],
        out_shape=[
            jax.ShapeDtypeStruct((1, 1), jnp.float32),
            jax.ShapeDtypeStruct((b, _NJ), jnp.int32),
        ],
        scratch_shapes=[pltpu.SMEM((1,), jnp.float32)],
    )(x4, tx, ty, vx, vy, jnp.asarray(_T2_NP, dtype=jnp.bfloat16))



_NC = 2
_NS = 16
_NW = _NC * _NS
_BPW = _NIDX // _NW
_CH = 128


def _gather_call(x16, rows, lanes):
    mesh = plsc.VectorSubcoreMesh(core_axis_name="c", subcore_axis_name="s")
    cp = pltpu.CompilerParams()
    if "needs_layout_passes" in pltpu.CompilerParams.__dataclass_fields__:
        cp = dataclasses.replace(cp, needs_layout_passes=False)

    @functools.partial(
        pl.kernel,
        mesh=mesh,
        compiler_params=cp,
        out_type=jax.ShapeDtypeStruct((_NIDX,), jnp.float32),
        scratch_types=[
            pltpu.VMEM((_CH,), jnp.int32),
            pltpu.VMEM((_CH,), jnp.int32),
            pltpu.VMEM((_CH, _GRAN), jnp.float32),
            pltpu.VMEM((_CH,), jnp.float32),
            pltpu.SemaphoreType.DMA,
        ],
    )
    def _gather_k(x16_hbm, rows_hbm, lanes_hbm, out_hbm,
                  idx_v, lane_v, rows_v, val_v, sem):
        wid = lax.axis_index("s") * _NC + lax.axis_index("c")
        base = wid * _BPW

        @pl.loop(0, _BPW, step=_CH)
        def _(off):
            pltpu.sync_copy(rows_hbm.at[pl.ds(base + off, _CH)], idx_v)
            pltpu.sync_copy(lanes_hbm.at[pl.ds(base + off, _CH)], lane_v)
            pltpu.async_copy(x16_hbm.at[idx_v], rows_v, sem).wait()

            @pl.loop(0, _CH, step=16)
            def _(i):
                r = jax.lax.broadcasted_iota(jnp.int32, (16,), 0) + i
                l = lane_v[pl.ds(i, 16)]
                val_v[pl.ds(i, 16)] = plsc.load_gather(rows_v, [r, l])

            pltpu.sync_copy(val_v, out_hbm.at[pl.ds(base + off, _CH)])

    return _gather_k(x16, rows, lanes)



_BE = 512


def _epi_body(g_ref, idx_ref, tx_ref, ty_ref, vx_ref, vy_ref,
              d1_ref, o_ref, acc_ref):
    step = pl.program_id(0)
    nsteps = pl.num_programs(0)
    be = idx_ref.shape[0]

    ox = g_ref[0]
    oy = g_ref[1]
    idx = idx_ref[...]
    yC = idx // _COL
    xC = idx - yC * _COL

    tx = tx_ref[...]
    ty = ty_ref[...]
    vx = vx_ref[...]
    vy = vy_ref[...]
    xi = (tx * _COL).astype(jnp.int32)
    yi = (ty * _COL).astype(jnp.int32)
    vis = vx == 1.0
    f = (xi >= 0) & (xi <= _COL - 1) & (yi >= 0) & (yi <= _COL - 1)
    kill = vis & (~f)
    active = vis & f
    vxn = jnp.where(kill, 0.0, vx)
    vyn = jnp.where(kill, 0.0, vy)

    scale = 1.0 / _COL
    x0 = (ox + xC.astype(jnp.float32)) * scale
    y0 = (oy + yC.astype(jnp.float32)) * scale
    dx = (x0 - tx) * vxn
    dy = (y0 - ty) * vyn
    d2p = jnp.sum(dx * dx + dy * dy)
    cntp = jnp.sum(active.astype(jnp.float32))
    n2p = jnp.sum(vxn + vyn)

    @pl.when(step == 0)
    def _():
        acc_ref[0] = d2p
        acc_ref[1] = cntp
        acc_ref[2] = n2p

    @pl.when(step != 0)
    def _():
        acc_ref[0] += d2p
        acc_ref[1] += cntp
        acc_ref[2] += n2p

    @pl.when(step == nsteps - 1)
    def _():
        o_ref[...] = (d1_ref[...] / acc_ref[1]
                      + jnp.full((1, 1), acc_ref[0] / (acc_ref[2] * 0.5),
                                 jnp.float32))


def _epi_call(g4, idxall, tx, ty, vx, vy, d1):
    b = idxall.shape[0]
    grid = (b // _BE,)
    return pl.pallas_call(
        _epi_body,
        grid=grid,
        in_specs=[
            pl.BlockSpec((2, _BE, _NJ), lambda i: (0, i, 0)),
            pl.BlockSpec((_BE, _NJ), lambda i: (i, 0)),
            pl.BlockSpec((_BE, _NJ), lambda i: (i, 0)),
            pl.BlockSpec((_BE, _NJ), lambda i: (i, 0)),
            pl.BlockSpec((_BE, _NJ), lambda i: (i, 0)),
            pl.BlockSpec((_BE, _NJ), lambda i: (i, 0)),
            pl.BlockSpec((1, 1), lambda i: (0, 0)),
        ],
        out_specs=pl.BlockSpec((1, 1), lambda i: (0, 0)),
        out_shape=jax.ShapeDtypeStruct((1, 1), jnp.float32),
        scratch_shapes=[pltpu.SMEM((3,), jnp.float32)],
    )(g4, idxall, tx, ty, vx, vy, d1)


def kernel(out, t, v):
    b = out.shape[0]
    x4 = out.reshape(b, 3, _NJ, _HW)
    tx = t[:, :, 0]
    ty = t[:, :, 1]
    vx = v[:, :, 0]
    vy = v[:, :, 1]

    d1, idxall = _heat_call(x4, tx, ty, vx, vy)

    b_i = jnp.arange(b, dtype=jnp.int32)[:, None]
    j_i = jnp.arange(_NJ, dtype=jnp.int32)[None, :]
    fx = b_i * _ROW + (_NJ + j_i) * _HW + idxall
    fy = fx + _NJ * _HW
    rows = jnp.concatenate(
        [(fx >> 7).reshape(-1), (fy >> 7).reshape(-1)], axis=0)
    lanes = jnp.concatenate(
        [(fx & (_GRAN - 1)).reshape(-1), (fy & (_GRAN - 1)).reshape(-1)],
        axis=0)

    x16 = out.reshape(b * _ROW // _GRAN, _GRAN)
    g = _gather_call(x16, rows, lanes)
    g3 = g.reshape(2, b, _NJ)

    res = _epi_call(g3, idxall, tx, ty, vx, vy, d1)
    return res[0, 0]

# --- scband reference (transcript-rebuilt; emitter-appended) ---
"""Pipeline reference for scband-mean-squared-error3-35759897707069 (READ-ONLY COPY).

The authoritative reference and input builder live on the scoring server;
editing this copy changes nothing except your own understanding.
"""

import jax, jax.numpy as jnp
import numpy as np

NJ = 14
COL = 14

def _gaussian_kernel1d(sigma, radius):
    x = np.arange(-radius, radius + 1)
    phi = np.exp(-0.5 / (sigma * sigma) * x * x)
    phi = phi / phi.sum()
    return jnp.asarray(phi, dtype=jnp.float32)

KERNEL = _gaussian_kernel1d(1.0, 4)

def _gaussian_blur2d(img):
    # scipy.ndimage.gaussian_filter(sigma=1.0, truncate=4.0, mode='reflect')
    # scipy 'reflect' == numpy/jnp pad mode 'symmetric'
    p = jnp.pad(img, 4, mode='symmetric')
    h1 = jax.vmap(lambda r: jnp.convolve(r, KERNEL, mode='valid'))(p)
    h2 = jax.vmap(lambda c: jnp.convolve(c, KERNEL, mode='valid'))(h1.T)
    return h2.T

def _forward(out, t, v):
    B = out.shape[0]
    scale = 1.0 / float(COL)
    h = out[:, 0:NJ, :, :]
    o = out[:, NJ:, :, :]
    reshaped = h.reshape(B, NJ, COL * COL)
    argmax = jnp.argmax(reshaped, axis=-1)
    yC = argmax // COL
    xC = argmax - yC * COL
    ti = t * COL
    xi = jax.lax.stop_gradient(ti[:, :, 0]).astype(jnp.int32)
    yi = jax.lax.stop_gradient(ti[:, :, 1]).astype(jnp.int32)
    vis = jax.lax.stop_gradient(v[:, :, 0]).astype(jnp.int32) == 1
    f = (xi >= 0) & (xi <= COL - 1) & (yi >= 0) & (yi <= COL - 1)
    # v mutation: visible joint with out-of-range target -> both visibility flags zeroed
    kill = vis & (~f)
    v_new = jnp.where(kill[:, :, None], 0.0, v)
    active = vis & f
    xi_c = jnp.clip(xi, 0, COL - 1)
    yi_c = jnp.clip(yi, 0, COL - 1)
    rows = jnp.arange(COL)
    onehot = ((rows[None, None, :, None] == yi_c[:, :, None, None]) & (rows[None, None, None, :] == xi_c[:, :, None, None])).astype(jnp.float32)
    blurred = jax.vmap(jax.vmap(_gaussian_blur2d))(onehot)
    gmin = blurred.min(axis=(2, 3), keepdims=True)
    gmax = blurred.max(axis=(2, 3), keepdims=True)
    den = gmax - gmin
    norm = (blurred - gmin) / jnp.where(den == 0.0, 1.0, den)
    tt = jnp.where(active[:, :, None, None], norm, 0.0)
    diff1 = h - tt
    vis_new = jax.lax.stop_gradient(v_new[:, :, 0]).astype(jnp.int32) == 1
    # original zeroes only the FIRST ROW of diff1[i, j] when joint not visible
    row0 = (~vis_new)[:, :, None, None] & (rows == 0)[None, None, :, None]
    diff1 = jnp.where(row0, 0.0, diff1)
    cnt = jnp.sum(vis_new.astype(jnp.float32))
    d1 = jnp.sum(diff1 * diff1) / cnt
    b_idx = jnp.arange(B)[:, None]
    j_idx = jnp.arange(NJ)[None, :]
    ox = o[b_idx, j_idx, yC, xC]
    oy = o[b_idx, j_idx + NJ, yC, xC]
    x0 = (ox + xC.astype(jnp.float32)) * scale
    x1 = (oy + yC.astype(jnp.float32)) * scale
    x = jnp.stack([x0, x1], axis=-1)
    diff2 = (x - t) * v_new
    N2 = jnp.sum(v_new) / 2.0
    d2 = jnp.sum(diff2 * diff2) / N2
    return d1 + d2

def setup_inputs(seed: int = 0):
    key = jax.random.key(seed)
    k1, k2, k3 = jax.random.split(key, 3)
    B = 4096
    out = jax.random.normal(k1, (B, 3 * NJ, COL, COL), dtype=jnp.float32)
    t = jax.random.uniform(k2, (B, NJ, 2), dtype=jnp.float32)
    v = jax.random.randint(k3, (B, NJ, 2), 0, 2).astype(jnp.float32)
    return {"out": out, "t": t, "v": v}

def reference(out, t, v):
    return _forward(out, t, v)

if __name__ == "__main__":
    import jax
    _d = setup_inputs()
    print(jax.jit(kernel)(*tuple(_d.values())))

</pallas_src>

<mosaic_0001>
#map = affine_map<(d0, d1) -> (0, 0)>
#map1 = affine_map<(d0, d1) -> (0)>
module attributes {stable_mosaic.version = 14 : i64} {
  func.func @_gather_k(%arg0: i32, %arg1: i32, %arg2: memref<263424x128xf32, #tpu.memory_space<hbm>>, %arg3: memref<114688xi32, #tpu.memory_space<hbm>>, %arg4: memref<114688xi32, #tpu.memory_space<hbm>>, %arg5: memref<114688xf32, #tpu.memory_space<hbm>>, %arg6: memref<128xi32, #tpu.memory_space<vmem>>, %arg7: memref<128xi32, #tpu.memory_space<vmem>>, %arg8: memref<128x128xf32, #tpu.memory_space<vmem>>, %arg9: memref<128xf32, #tpu.memory_space<vmem>>, %arg10: memref<!tpu.dma_semaphore, #tpu.memory_space<semaphore_mem>>) attributes {dimension_semantics = [#tpu.dimension_semantics<core_parallel>, #tpu.dimension_semantics<subcore_parallel>], iteration_bounds = array<i64: 2, 16>, scalar_prefetch = 0 : i64, scratch_operands = 5 : i64, tpu.core_type = #tpu.core_type<sc_vector_subcore>, window_params = [{transform_indices = #map}, {transform_indices = #map1}, {transform_indices = #map1}, {transform_indices = #map1}]} {
    %mul3A = arith.constant 2 : i32
    %mul3A_0 = arith.muli %arg1, %mul3A : i32
    %add3A = arith.addi %mul3A_0, %arg0 : i32
    %mul3A_1 = arith.constant 3584 : i32
    %mul3A_2 = arith.muli %add3A, %mul3A_1 : i32
    %scan3A = arith.constant 0 : i32
    %scan3A_3 = arith.constant 28 : i32
    %scan3A_4 = arith.addi %scan3A, %scan3A_3 : i32
    %scan3A_5 = arith.constant 1 : i32
    scf.for %scan3A_7 = %scan3A to %scan3A_4 step %scan3A_5  : i32 {
      %mul3A_8 = arith.constant 128 : i32
      %mul3A_9 = arith.muli %scan3A_7, %mul3A_8 : i32
      %add3A_10 = arith.constant 0 : i32
      %add3A_11 = arith.addi %add3A_10, %mul3A_9 : i32
      %add3A_12 = arith.addi %mul3A_2, %add3A_11 : i32
      "tpu.region"() ({
        %run_scoped3A = tpu.sem_alloc : memref<!tpu.dma_semaphore, #tpu.memory_space<semaphore_mem>>
        %dma_start3A_24 = tpu.memref_slice %arg3[%add3A_12] : memref<114688xi32, #tpu.memory_space<hbm>> -> memref<128xi32, #tpu.memory_space<hbm>>
        %dma_start3A_25 = tpu.memref_slice %arg3[%add3A_12] : memref<114688xi32, #tpu.memory_space<hbm>> -> memref<128xi32, #tpu.memory_space<hbm>>
        tpu.enqueue_dma source(%dma_start3A_25 : memref<128xi32, #tpu.memory_space<hbm>>) target(%arg6 : memref<128xi32, #tpu.memory_space<vmem>>) target_semaphore(%run_scoped3A : memref<!tpu.dma_semaphore, #tpu.memory_space<semaphore_mem>>)
        %dma_wait3A_26 = tpu.memref_slice %arg3[%add3A_12] : memref<114688xi32, #tpu.memory_space<hbm>> -> memref<128xi32, #tpu.memory_space<hbm>>
        %dma_wait3A_27 = tpu.memref_slice %arg3[%add3A_12] : memref<114688xi32, #tpu.memory_space<hbm>> -> memref<128xi32, #tpu.memory_space<hbm>>
        tpu.wait_dma2 semaphore(%run_scoped3A : memref<!tpu.dma_semaphore, #tpu.memory_space<semaphore_mem>>) src(%dma_wait3A_27 : memref<128xi32, #tpu.memory_space<hbm>>) dst(%arg6 : memref<128xi32, #tpu.memory_space<vmem>>)
        tpu.yield
      }) : () -> ()
      %add3A_13 = arith.addi %mul3A_2, %add3A_11 : i32
      "tpu.region"() ({
        %run_scoped3A = tpu.sem_alloc : memref<!tpu.dma_semaphore, #tpu.memory_space<semaphore_mem>>
        %dma_start3A_24 = tpu.memref_slice %arg4[%add3A_13] : memref<114688xi32, #tpu.memory_space<hbm>> -> memref<128xi32, #tpu.memory_space<hbm>>
        %dma_start3A_25 = tpu.memref_slice %arg4[%add3A_13] : memref<114688xi32, #tpu.memory_space<hbm>> -> memref<128xi32, #tpu.memory_space<hbm>>
        tpu.enqueue_dma source(%dma_start3A_25 : memref<128xi32, #tpu.memory_space<hbm>>) target(%arg7 : memref<128xi32, #tpu.memory_space<vmem>>) target_semaphore(%run_scoped3A : memref<!tpu.dma_semaphore, #tpu.memory_space<semaphore_mem>>)
        %dma_wait3A_26 = tpu.memref_slice %arg4[%add3A_13] : memref<114688xi32, #tpu.memory_space<hbm>> -> memref<128xi32, #tpu.memory_space<hbm>>
        %dma_wait3A_27 = tpu.memref_slice %arg4[%add3A_13] : memref<114688xi32, #tpu.memory_space<hbm>> -> memref<128xi32, #tpu.memory_space<hbm>>
        tpu.wait_dma2 semaphore(%run_scoped3A : memref<!tpu.dma_semaphore, #tpu.memory_space<semaphore_mem>>) src(%dma_wait3A_27 : memref<128xi32, #tpu.memory_space<hbm>>) dst(%arg7 : memref<128xi32, #tpu.memory_space<vmem>>)
        tpu.yield
      }) : () -> ()
      %dma_start3A = arith.constant 0 : i32
      %dma_start3A_14 = arith.constant 0 : i32
      %dma_start3A_15 = tpu.memref_slice %arg2[%dma_start3A, %dma_start3A_14] : memref<263424x128xf32, #tpu.memory_space<hbm>> -> memref<263424x128xf32, #tpu.memory_space<hbm>>
      tpu.enqueue_indirect_dma source(%dma_start3A_15 : memref<263424x128xf32, #tpu.memory_space<hbm>>) target(%arg8 : memref<128x128xf32, #tpu.memory_space<vmem>>) offsets(%arg6 : memref<128xi32, #tpu.memory_space<vmem>>) semaphore(%arg10 : memref<!tpu.dma_semaphore, #tpu.memory_space<semaphore_mem>>)
      %dma_wait3A = arith.constant 0 : i32
      %dma_wait3A_16 = arith.constant 0 : i32
      %dma_wait3A_17 = tpu.memref_slice %arg2[%dma_wait3A, %dma_wait3A_16] : memref<263424x128xf32, #tpu.memory_space<hbm>> -> memref<263424x128xf32, #tpu.memory_space<hbm>>
      tpu.wait_indirect_dma semaphore(%arg10 : memref<!tpu.dma_semaphore, #tpu.memory_space<semaphore_mem>>) src(%dma_wait3A_17 : memref<263424x128xf32, #tpu.memory_space<hbm>>) dst(%arg8 : memref<128x128xf32, #tpu.memory_space<vmem>>)
      %scan3A_18 = arith.constant 0 : i32
      %scan3A_19 = arith.constant 8 : i32
      %scan3A_20 = arith.addi %scan3A_18, %scan3A_19 : i32
      %scan3A_21 = arith.constant 1 : i32
      scf.for %scan3A_24 = %scan3A_18 to %scan3A_20 step %scan3A_21  : i32 {
        %mul3A_25 = arith.constant 16 : i32
        %mul3A_26 = arith.muli %scan3A_24, %mul3A_25 : i32
        %add3A_27 = arith.constant 0 : i32
        %add3A_28 = arith.addi %add3A_27, %mul3A_26 : i32
        %iota3A = tpu.iota {dimensions = array<i32: 0>} : vector<16xi32>
        %add3A_29 = vector.broadcast %add3A_28 : i32 to vector<16xi32>
        %add3A_30 = arith.addi %iota3A, %add3A_29 : vector<16xi32>
        %get3A = arith.index_cast %add3A_28 : i32 to index
        %get3A_31 = tpu.vector_load %arg7[%get3A] {strides = array<i32>} : memref<128xi32, #tpu.memory_space<vmem>>, vector<16xi32>,
        %gather3A = tpu.vector_load_idx %arg8[%add3A_30, %get3A_31] : memref<128x128xf32, #tpu.memory_space<vmem>>[vector<16xi32>, vector<16xi32>], vector<16xf32>,
        %swap3A = arith.index_cast %add3A_28 : i32 to index
        %swap3A_32 = tpu.vector_load %arg9[%swap3A] {strides = array<i32>} : memref<128xf32, #tpu.memory_space<vmem>>, vector<16xf32>,
        tpu.vector_store %arg9[%swap3A], %gather3A {strides = array<i32>} : memref<128xf32, #tpu.memory_space<vmem>>, vector<16xf32>,
      }
      %scan3A_22 = arith.constant 8 : i32
      %add3A_23 = arith.addi %mul3A_2, %add3A_11 : i32
      "tpu.region"() ({
        %run_scoped3A = tpu.sem_alloc : memref<!tpu.dma_semaphore, #tpu.memory_space<semaphore_mem>>
        %dma_start3A_24 = tpu.memref_slice %arg5[%add3A_23] : memref<114688xf32, #tpu.memory_space<hbm>> -> memref<128xf32, #tpu.memory_space<hbm>>
        %dma_start3A_25 = tpu.memref_slice %arg5[%add3A_23] : memref<114688xf32, #tpu.memory_space<hbm>> -> memref<128xf32, #tpu.memory_space<hbm>>
        tpu.enqueue_dma source(%arg9 : memref<128xf32, #tpu.memory_space<vmem>>) target(%dma_start3A_25 : memref<128xf32, #tpu.memory_space<hbm>>) target_semaphore(%run_scoped3A : memref<!tpu.dma_semaphore, #tpu.memory_space<semaphore_mem>>)
        %dma_wait3A_26 = tpu.memref_slice %arg5[%add3A_23] : memref<114688xf32, #tpu.memory_space<hbm>> -> memref<128xf32, #tpu.memory_space<hbm>>
        %dma_wait3A_27 = tpu.memref_slice %arg5[%add3A_23] : memref<114688xf32, #tpu.memory_space<hbm>> -> memref<128xf32, #tpu.memory_space<hbm>>
        tpu.wait_dma2 semaphore(%run_scoped3A : memref<!tpu.dma_semaphore, #tpu.memory_space<semaphore_mem>>) src(%arg9 : memref<128xf32, #tpu.memory_space<vmem>>) dst(%dma_wait3A_27 : memref<128xf32, #tpu.memory_space<hbm>>)
        tpu.yield
      }) : () -> ()
    }
    %scan3A_6 = arith.constant 28 : i32
    return
  }
}

module attributes {stable_mosaic.version = 14 : i64} {
  func.func @_heat_body(%arg0: i32, %arg1: memref<256x1x14x196xf32, #tpu.memory_space<vmem>>, %arg2: memref<256x14xf32, #tpu.memory_space<vmem>>, %arg3: memref<256x14xf32, #tpu.memory_space<vmem>>, %arg4: memref<256x14xf32, #tpu.memory_space<vmem>>, %arg5: memref<256x14xf32, #tpu.memory_space<vmem>>, %arg6: memref<196x196xbf16, #tpu.memory_space<vmem>>, %arg7: memref<1x1xf32, #tpu.memory_space<vmem>>, %arg8: memref<256x14xi32, #tpu.memory_space<vmem>>, %arg9: memref<1xf32, #tpu.memory_space<smem>>) attributes {dimension_semantics = [#tpu.dimension_semantics<arbitrary>], iteration_bounds = array<i64: 16>, scalar_prefetch = 0 : i64, scratch_operands = 1 : i64, tpu.core_type = #tpu.core_type<tc>, window_params = [{transform_indices = @transform_0, window_bounds = array<i64: 256, 1, 14, 196>}, {transform_indices = @transform_1, window_bounds = array<i64: 256, 14>}, {transform_indices = @transform_2, window_bounds = array<i64: 256, 14>}, {transform_indices = @transform_3, window_bounds = array<i64: 256, 14>}, {transform_indices = @transform_4, window_bounds = array<i64: 256, 14>}, {pipeline_mode = #tpu.pipeline_mode<synchronous>, transform_indices = @transform_5, window_bounds = array<i64: 196, 196>}, {pipeline_mode = #tpu.pipeline_mode<synchronous>, transform_indices = @transform_6, window_bounds = array<i64: 1, 1>}, {transform_indices = @transform_7, window_bounds = array<i64: 256, 14>}]} {
    %get3A = arith.constant 0 : index
    %get3A_0 = arith.constant 0 : index
    %get3A_1 = vector.load %arg2[%get3A, %get3A_0] : memref<256x14xf32, #tpu.memory_space<vmem>>, vector<256x14xf32>
    %get3A_2 = arith.constant 0 : index
    %get3A_3 = arith.constant 0 : index
    %get3A_4 = vector.load %arg3[%get3A_2, %get3A_3] : memref<256x14xf32, #tpu.memory_space<vmem>>, vector<256x14xf32>
    %get3A_5 = arith.constant 0 : index
    %get3A_6 = arith.constant 0 : index
    %get3A_7 = vector.load %arg4[%get3A_5, %get3A_6] : memref<256x14xf32, #tpu.memory_space<vmem>>, vector<256x14xf32>
    %mul3A = arith.constant 1.400000e+01 : f32
    %mul3A_8 = vector.broadcast %mul3A : f32 to vector<256x14xf32>
    %mul3A_9 = arith.mulf %get3A_1, %mul3A_8 : vector<256x14xf32>
    %convert_element_type3A = arith.fptosi %mul3A_9 : vector<256x14xf32> to vector<256x14xi32>
    %mul3A_10 = arith.constant 1.400000e+01 : f32
    %mul3A_11 = vector.broadcast %mul3A_10 : f32 to vector<256x14xf32>
    %mul3A_12 = arith.mulf %get3A_4, %mul3A_11 : vector<256x14xf32>
    %convert_element_type3A_13 = arith.fptosi %mul3A_12 : vector<256x14xf32> to vector<256x14xi32>
    %eq3A = arith.constant 1.000000e+00 : f32
    %eq3A_14 = vector.broadcast %eq3A : f32 to vector<256x14xf32>
    %eq3A_15 = arith.cmpf oeq, %get3A_7, %eq3A_14 : vector<256x14xf32>
    %ge3A = arith.constant 0 : i32
    %ge3A_16 = vector.broadcast %ge3A : i32 to vector<256x14xi32>
    %ge3A_17 = arith.cmpi sge, %convert_element_type3A, %ge3A_16 : vector<256x14xi32>
    %le3A = arith.constant 13 : i32
    %le3A_18 = vector.broadcast %le3A : i32 to vector<256x14xi32>
    %le3A_19 = arith.cmpi sle, %convert_element_type3A, %le3A_18 : vector<256x14xi32>
    %and3A = arith.andi %ge3A_17, %le3A_19 : vector<256x14xi1>
    %ge3A_20 = arith.constant 0 : i32
    %ge3A_21 = vector.broadcast %ge3A_20 : i32 to vector<256x14xi32>
    %ge3A_22 = arith.cmpi sge, %convert_element_type3A_13, %ge3A_21 : vector<256x14xi32>
    %and3A_23 = arith.andi %and3A, %ge3A_22 : vector<256x14xi1>
    %le3A_24 = arith.constant 13 : i32
    %le3A_25 = vector.broadcast %le3A_24 : i32 to vector<256x14xi32>
    %le3A_26 = arith.cmpi sle, %convert_element_type3A_13, %le3A_25 : vector<256x14xi32>
    %and3A_27 = arith.andi %and3A_23, %le3A_26 : vector<256x14xi1>
    %and3A_28 = arith.andi %eq3A_15, %and3A_27 : vector<256x14xi1>
    %jit3A = arith.constant 0 : i32
    %jit3A_29 = arith.constant 13 : i32
    %max3A = vector.broadcast %jit3A : i32 to vector<256x14xi32>
    %max3A_30 = arith.maxsi %max3A, %convert_element_type3A_13 : vector<256x14xi32>
    %min3A = vector.broadcast %jit3A_29 : i32 to vector<256x14xi32>
    %min3A_31 = arith.minsi %min3A, %max3A_30 : vector<256x14xi32>
    %mul3A_32 = arith.constant 14 : i32
    %mul3A_33 = vector.broadcast %mul3A_32 : i32 to vector<256x14xi32>
    %mul3A_34 = arith.muli %min3A_31, %mul3A_33 : vector<256x14xi32>
    %jit3A_35 = arith.constant 0 : i32
    %jit3A_36 = arith.constant 13 : i32
    %max3A_37 = vector.broadcast %jit3A_35 : i32 to vector<256x14xi32>
    %max3A_38 = arith.maxsi %max3A_37, %convert_element_type3A : vector<256x14xi32>
    %min3A_39 = vector.broadcast %jit3A_36 : i32 to vector<256x14xi32>
    %min3A_40 = arith.minsi %min3A_39, %max3A_38 : vector<256x14xi32>
    %add3A = arith.addi %mul3A_34, %min3A_40 : vector<256x14xi32>
    %get3A_41 = arith.constant 0 : index
    %get3A_42 = arith.constant 0 : index
    %get3A_43 = vector.load %arg6[%get3A_41, %get3A_42] : memref<196x196xbf16, #tpu.memory_space<vmem>>, vector<196x196xbf16>
    %iota3A = tpu.iota {dimensions = array<i32: 1>} : vector<256x196xi32>
    %get3A_44 = arith.constant 0 : index
    %get3A_45 = arith.constant 0 : index
    %get3A_46 = arith.constant 0 : index
    %get3A_47 = arith.constant 0 : index
    %get3A_48 = vector.load %arg1[%get3A_44, %get3A_45, %get3A_46, %get3A_47] : memref<256x1x14x196xf32, #tpu.memory_space<vmem>>, vector<256x1x1x196xf32>
    %get3A_49 = vector.shape_cast %get3A_48 : vector<256x1x1x196xf32> to vector<256x196xf32>
    %reduce_max3A = arith.constant dense<0xFF800000> : vector<256xf32>
    %reduce_max3A_50 = vector.multi_reduction <maximumf>, %get3A_49, %reduce_max3A [1] : vector<256x196xf32> to vector<256xf32>
    %broadcast_in_dim3A = vector.shape_cast %reduce_max3A_50 : vector<256xf32> to vector<256x1xf32>
    %eq3A_51 = vector.broadcast %broadcast_in_dim3A : vector<256x1xf32> to vector<256x196xf32>
    %eq3A_52 = arith.cmpf oeq, %get3A_49, %eq3A_51 : vector<256x196xf32>
    %jit3A_53 = arith.constant 196 : i32
    %broadcast_in_dim3A_54 = vector.broadcast %jit3A_53 : i32 to vector<256x196xi32>
    %select_n3A = arith.select %eq3A_52, %iota3A, %broadcast_in_dim3A_54 : vector<256x196xi1>, vector<256x196xi32>
    %reduce_min3A = arith.constant dense<2147483647> : vector<256xi32>
    %reduce_min3A_55 = vector.multi_reduction <minsi>, %select_n3A, %reduce_min3A [1] : vector<256x196xi32> to vector<256xi32>
    %broadcast_in_dim3A_56 = vector.shape_cast %reduce_min3A_55 : vector<256xi32> to vector<256x1xi32>
    %slice3A = vector.extract_strided_slice %and3A_28 {offsets = [0, 0], sizes = [256, 1], strides = [1, 1]} : vector<256x14xi1> to vector<256x1xi1>
    %slice3A_57 = vector.extract_strided_slice %add3A {offsets = [0, 0], sizes = [256, 1], strides = [1, 1]} : vector<256x14xi32> to vector<256x1xi32>
    %eq3A_58 = vector.broadcast %slice3A_57 : vector<256x1xi32> to vector<256x196xi32>
    %eq3A_59 = arith.cmpi eq, %iota3A, %eq3A_58 : vector<256x196xi32>
    %convert_element_type3A_60 = arith.extui %eq3A_59 : vector<256x196xi1> to vector<256x196xi32>
    %convert_element_type3A_61 = arith.sitofp %convert_element_type3A_60 : vector<256x196xi32> to vector<256x196xf32>
    %convert_element_type3A_62 = arith.truncf %convert_element_type3A_61 : vector<256x196xf32> to vector<256x196xbf16>
    %dot_general3A = arith.constant dense<0.000000e+00> : vector<256x196xf32>
    %dot_general3A_63 = tpu.matmul %convert_element_type3A_62, %get3A_43, %dot_general3A {dimension_numbers = #tpu.dot_dimension_numbers<[1], [0], [0], [1], [0, 0, 1, 1], [], []>, transpose_lhs_hint = false} : vector<256x196xbf16>, vector<196x196xbf16>, vector<256x196xf32> -> vector<256x196xf32>
    %jit3A_64 = arith.constant 0.000000e+00 : f32
    %broadcast_in_dim3A_65 = vector.shape_cast %slice3A : vector<256x1xi1> to vector<256x1xi1>
    %broadcast_in_dim3A_66 = vector.broadcast %broadcast_in_dim3A_65 : vector<256x1xi1> to vector<256x196xi1>
    %broadcast_in_dim3A_67 = vector.broadcast %jit3A_64 : f32 to vector<256x196xf32>
    %select_n3A_68 = arith.select %broadcast_in_dim3A_66, %dot_general3A_63, %broadcast_in_dim3A_67 : vector<256x196xi1>, vector<256x196xf32>
    %sub3A = arith.subf %get3A_49, %select_n3A_68 : vector<256x196xf32>
    %not3A = arith.constant dense<true> : vector<256x1xi1>
    %not3A_69 = arith.xori %slice3A, %not3A : vector<256x1xi1>
    %lt3A = arith.constant 14 : i32
    %lt3A_70 = vector.broadcast %lt3A : i32 to vector<256x196xi32>
    %lt3A_71 = arith.cmpi slt, %iota3A, %lt3A_70 : vector<256x196xi32>
    %and3A_72 = vector.broadcast %not3A_69 : vector<256x1xi1> to vector<256x196xi1>
    %and3A_73 = arith.andi %and3A_72, %lt3A_71 : vector<256x196xi1>
    %jit3A_74 = arith.constant 0.000000e+00 : f32
    %broadcast_in_dim3A_75 = vector.broadcast %jit3A_74 : f32 to vector<256x196xf32>
    %select_n3A_76 = arith.select %and3A_73, %broadcast_in_dim3A_75, %sub3A : vector<256x196xi1>, vector<256x196xf32>
    %mul3A_77 = arith.mulf %select_n3A_76, %select_n3A_76 : vector<256x196xf32>
    %reduce_sum3A = vector.shape_cast %mul3A_77 : vector<256x196xf32> to vector<1x256x196xf32>
    %reduce_sum3A_78 = arith.constant dense<0.000000e+00> : vector<1xf32>
    %reduce_sum3A_79 = vector.multi_reduction <add>, %reduce_sum3A, %reduce_sum3A_78 [1, 2] : vector<1x256x196xf32> to vector<1xf32>
    %reduce_sum3A_80 = vector.shape_cast %reduce_sum3A_79 : vector<1xf32> to vector<1x1x1xf32>
    %reduce_sum3A_81 = vector.extract %reduce_sum3A_80[0, 0, 0] : f32 from vector<1x1x1xf32>
    %add3A_82 = arith.constant 0.000000e+00 : f32
    %add3A_83 = arith.addf %add3A_82, %reduce_sum3A_81 : f32
    %get3A_84 = arith.constant 0 : index
    %get3A_85 = arith.constant 0 : index
    %get3A_86 = arith.constant 1 : index
    %get3A_87 = arith.constant 0 : index
    %get3A_88 = vector.load %arg1[%get3A_84, %get3A_85, %get3A_86, %get3A_87] : memref<256x1x14x196xf32, #tpu.memory_space<vmem>>, vector<256x1x1x196xf32>
    %get3A_89 = vector.shape_cast %get3A_88 : vector<256x1x1x196xf32> to vector<256x196xf32>
    %reduce_max3A_90 = arith.constant dense<0xFF800000> : vector<256xf32>
    %reduce_max3A_91 = vector.multi_reduction <maximumf>, %get3A_89, %reduce_max3A_90 [1] : vector<256x196xf32> to vector<256xf32>
    %broadcast_in_dim3A_92 = vector.shape_cast %reduce_max3A_91 : vector<256xf32> to vector<256x1xf32>
    %eq3A_93 = vector.broadcast %broadcast_in_dim3A_92 : vector<256x1xf32> to vector<256x196xf32>
    %eq3A_94 = arith.cmpf oeq, %get3A_89, %eq3A_93 : vector<256x196xf32>
    %jit3A_95 = arith.constant 196 : i32
    %broadcast_in_dim3A_96 = vector.broadcast %jit3A_95 : i32 to vector<256x196xi32>
    %select_n3A_97 = arith.select %eq3A_94, %iota3A, %broadcast_in_dim3A_96 : vector<256x196xi1>, vector<256x196xi32>
    %reduce_min3A_98 = arith.constant dense<2147483647> : vector<256xi32>
    %reduce_min3A_99 = vector.multi_reduction <minsi>, %select_n3A_97, %reduce_min3A_98 [1] : vector<256x196xi32> to vector<256xi32>
    %broadcast_in_dim3A_100 = vector.shape_cast %reduce_min3A_99 : vector<256xi32> to vector<256x1xi32>
    %slice3A_101 = vector.extract_strided_slice %and3A_28 {offsets = [0, 1], sizes = [256, 1], strides = [1, 1]} : vector<256x14xi1> to vector<256x1xi1>
    %slice3A_102 = vector.extract_strided_slice %add3A {offsets = [0, 1], sizes = [256, 1], strides = [1, 1]} : vector<256x14xi32> to vector<256x1xi32>
    %eq3A_103 = vector.broadcast %slice3A_102 : vector<256x1xi32> to vector<256x196xi32>
    %eq3A_104 = arith.cmpi eq, %iota3A, %eq3A_103 : vector<256x196xi32>
    %convert_element_type3A_105 = arith.extui %eq3A_104 : vector<256x196xi1> to vector<256x196xi32>
    %convert_element_type3A_106 = arith.sitofp %convert_element_type3A_105 : vector<256x196xi32> to vector<256x196xf32>
    %convert_element_type3A_107 = arith.truncf %convert_element_type3A_106 : vector<256x196xf32> to vector<256x196xbf16>
    %dot_general3A_108 = arith.constant dense<0.000000e+00> : vector<256x196xf32>
    %dot_general3A_109 = tpu.matmul %convert_element_type3A_107, %get3A_43, %dot_general3A_108 {dimension_numbers = #tpu.dot_dimension_numbers<[1], [0], [0], [1], [0, 0, 1, 1], [], []>, transpose_lhs_hint = false} : vector<256x196xbf16>, vector<196x196xbf16>, vector<256x196xf32> -> vector<256x196xf32>
    %jit3A_110 = arith.constant 0.000000e+00 : f32
    %broadcast_in_dim3A_111 = vector.shape_cast %slice3A_101 : vector<256x1xi1> to vector<256x1xi1>
    %broadcast_in_dim3A_112 = vector.broadcast %broadcast_in_dim3A_111 : vector<256x1xi1> to vector<256x196xi1>
    %broadcast_in_dim3A_113 = vector.broadcast %jit3A_110 : f32 to vector<256x196xf32>
    %select_n3A_114 = arith.select %broadcast_in_dim3A_112, %dot_general3A_109, %broadcast_in_dim3A_113 : vector<256x196xi1>, vector<256x196xf32>
    %sub3A_115 = arith.subf %get3A_89, %select_n3A_114 : vector<256x196xf32>
    %not3A_116 = arith.constant dense<true> : vector<256x1xi1>
    %not3A_117 = arith.xori %slice3A_101, %not3A_116 : vector<256x1xi1>
    %lt3A_118 = arith.constant 14 : i32
    %lt3A_119 = vector.broadcast %lt3A_118 : i32 to vector<256x196xi32>
    %lt3A_120 = arith.cmpi slt, %iota3A, %lt3A_119 : vector<256x196xi32>
    %and3A_121 = vector.broadcast %not3A_117 : vector<256x1xi1> to vector<256x196xi1>
    %and3A_122 = arith.andi %and3A_121, %lt3A_120 : vector<256x196xi1>
    %jit3A_123 = arith.constant 0.000000e+00 : f32
    %broadcast_in_dim3A_124 = vector.broadcast %jit3A_123 : f32 to vector<256x196xf32>
    %select_n3A_125 = arith.select %and3A_122, %broadcast_in_dim3A_124, %sub3A_115 : vector<256x196xi1>, vector<256x196xf32>
    %mul3A_126 = arith.mulf %select_n3A_125, %select_n3A_125 : vector<256x196xf32>
    %reduce_sum3A_127 = vector.shape_cast %mul3A_126 : vector<256x196xf32> to vector<1x256x196xf32>
    %reduce_sum3A_128 = arith.constant dense<0.000000e+00> : vector<1xf32>
    %reduce_sum3A_129 = vector.multi_reduction <add>, %reduce_sum3A_127, %reduce_sum3A_128 [1, 2] : vector<1x256x196xf32> to vector<1xf32>
    %reduce_sum3A_130 = vector.shape_cast %reduce_sum3A_129 : vector<1xf32> to vector<1x1x1xf32>
    %reduce_sum3A_131 = vector.extract %reduce_sum3A_130[0, 0, 0] : f32 from vector<1x1x1xf32>
    %add3A_132 = arith.addf %add3A_83, %reduce_sum3A_131 : f32
    %get3A_133 = arith.constant 0 : index
    %get3A_134 = arith.constant 0 : index
    %get3A_135 = arith.constant 2 : index
    %get3A_136 = arith.constant 0 : index
    %get3A_137 = vector.load %arg1[%get3A_133, %get3A_134, %get3A_135, %get3A_136] : memref<256x1x14x196xf32, #tpu.memory_space<vmem>>, vector<256x1x1x196xf32>
    %get3A_138 = vector.shape_cast %get3A_137 : vector<256x1x1x196xf32> to vector<256x196xf32>
    %reduce_max3A_139 = arith.constant dense<0xFF800000> : vector<256xf32>
    %reduce_max3A_140 = vector.multi_reduction <maximumf>, %get3A_138, %reduce_max3A_139 [1] : vector<256x196xf32> to vector<256xf32>
    %broadcast_in_dim3A_141 = vector.shape_cast %reduce_max3A_140 : vector<256xf32> to vector<256x1xf32>
    %eq3A_142 = vector.broadcast %broadcast_in_dim3A_141 : vector<256x1xf32> to vector<256x196xf32>
    %eq3A_143 = arith.cmpf oeq, %get3A_138, %eq3A_142 : vector<256x196xf32>
    %jit3A_144 = arith.constant 196 : i32
    %broadcast_in_dim3A_145 = vector.broadcast %jit3A_144 : i32 to vector<256x196xi32>
    %select_n3A_146 = arith.select %eq3A_143, %iota3A, %broadcast_in_dim3A_145 : vector<256x196xi1>, vector<256x196xi32>
    %reduce_min3A_147 = arith.constant dense<2147483647> : vector<256xi32>
    %reduce_min3A_148 = vector.multi_reduction <minsi>, %select_n3A_146, %reduce_min3A_147 [1] : vector<256x196xi32> to vector<256xi32>
    %broadcast_in_dim3A_149 = vector.shape_cast %reduce_min3A_148 : vector<256xi32> to vector<256x1xi32>
    %slice3A_150 = vector.extract_strided_slice %and3A_28 {offsets = [0, 2], sizes = [256, 1], strides = [1, 1]} : vector<256x14xi1> to vector<256x1xi1>
    %slice3A_151 = vector.extract_strided_slice %add3A {offsets = [0, 2], sizes = [256, 1], strides = [1, 1]} : vector<256x14xi32> to vector<256x1xi32>
    %eq3A_152 = vector.broadcast %slice3A_151 : vector<256x1xi32> to vector<256x196xi32>
    %eq3A_153 = arith.cmpi eq, %iota3A, %eq3A_152 : vector<256x196xi32>
    %convert_element_type3A_154 = arith.extui %eq3A_153 : vector<256x196xi1> to vector<256x196xi32>
    %convert_element_type3A_155 = arith.sitofp %convert_element_type3A_154 : vector<256x196xi32> to vector<256x196xf32>
    %convert_element_type3A_156 = arith.truncf %convert_element_type3A_155 : vector<256x196xf32> to vector<256x196xbf16>
    %dot_general3A_157 = arith.constant dense<0.000000e+00> : vector<256x196xf32>
    %dot_general3A_158 = tpu.matmul %convert_element_type3A_156, %get3A_43, %dot_general3A_157 {dimension_numbers = #tpu.dot_dimension_numbers<[1], [0], [0], [1], [0, 0, 1, 1], [], []>, transpose_lhs_hint = false} : vector<256x196xbf16>, vector<196x196xbf16>, vector<256x196xf32> -> vector<256x196xf32>
    %jit3A_159 = arith.constant 0.000000e+00 : f32
    %broadcast_in_dim3A_160 = vector.shape_cast %slice3A_150 : vector<256x1xi1> to vector<256x1xi1>
    %broadcast_in_dim3A_161 = vector.broadcast %broadcast_in_dim3A_160 : vector<256x1xi1> to vector<256x196xi1>
    %broadcast_in_dim3A_162 = vector.broadcast %jit3A_159 : f32 to vector<256x196xf32>
    %select_n3A_163 = arith.select %broadcast_in_dim3A_161, %dot_general3A_158, %broadcast_in_dim3A_162 : vector<256x196xi1>, vector<256x196xf32>
    %sub3A_164 = arith.subf %get3A_138, %select_n3A_163 : vector<256x196xf32>
    %not3A_165 = arith.constant dense<true> : vector<256x1xi1>
    %not3A_166 = arith.xori %slice3A_150, %not3A_165 : vector<256x1xi1>
    %lt3A_167 = arith.constant 14 : i32
    %lt3A_168 = vector.broadcast %lt3A_167 : i32 to vector<256x196xi32>
    %lt3A_169 = arith.cmpi slt, %iota3A, %lt3A_168 : vector<256x196xi32>
    %and3A_170 = vector.broadcast %not3A_166 : vector<256x1xi1> to vector<256x196xi1>
    %and3A_171 = arith.andi %and3A_170, %lt3A_169 : vector<256x196xi1>
    %jit3A_172 = arith.constant 0.000000e+00 : f32
    %broadcast_in_dim3A_173 = vector.broadcast %jit3A_172 : f32 to vector<256x196xf32>
    %select_n3A_174 = arith.select %and3A_171, %broadcast_in_dim3A_173, %sub3A_164 : vector<256x196xi1>, vector<256x196xf32>
    %mul3A_175 = arith.mulf %select_n3A_174, %select_n3A_174 : vector<256x196xf32>
    %reduce_sum3A_176 = vector.shape_cast %mul3A_175 : vector<256x196xf32> to vector<1x256x196xf32>
    %reduce_sum3A_177 = arith.constant dense<0.000000e+00> : vector<1xf32>
    %reduce_sum3A_178 = vector.multi_reduction <add>, %reduce_sum3A_176, %reduce_sum3A_177 [1, 2] : vector<1x256x196xf32> to vector<1xf32>
    %reduce_sum3A_179 = vector.shape_cast %reduce_sum3A_178 : vector<1xf32> to vector<1x1x1xf32>
    %reduce_sum3A_180 = vector.extract %reduce_sum3A_179[0, 0, 0] : f32 from vector<1x1x1xf32>
    %add3A_181 = arith.addf %add3A_132, %reduce_sum3A_180 : f32
    %get3A_182 = arith.constant 0 : index
    %get3A_183 = arith.constant 0 : index
    %get3A_184 = arith.constant 3 : index
    %get3A_185 = arith.constant 0 : index
    %get3A_186 = vector.load %arg1[%get3A_182, %get3A_183, %get3A_184, %get3A_185] : memref<256x1x14x196xf32, #tpu.memory_space<vmem>>, vector<256x1x1x196xf32>
    %get3A_187 = vector.shape_cast %get3A_186 : vector<256x1x1x196xf32> to vector<256x196xf32>
    %reduce_max3A_188 = arith.constant dense<0xFF800000> : vector<256xf32>
    %reduce_max3A_189 = vector.multi_reduction <maximumf>, %get3A_187, %reduce_max3A_188 [1] : vector<256x196xf32> to vector<256xf32>
    %broadcast_in_dim3A_190 = vector.shape_cast %reduce_max3A_189 : vector<256xf32> to vector<256x1xf32>
    %eq3A_191 = vector.broadcast %broadcast_in_dim3A_190 : vector<256x1xf32> to vector<256x196xf32>
    %eq3A_192 = arith.cmpf oeq, %get3A_187, %eq3A_191 : vector<256x196xf32>
    %jit3A_193 = arith.constant 196 : i32
    %broadcast_in_dim3A_194 = vector.broadcast %jit3A_193 : i32 to vector<256x196xi32>
    %select_n3A_195 = arith.select %eq3A_192, %iota3A, %broadcast_in_dim3A_194 : vector<256x196xi1>, vector<256x196xi32>
    %reduce_min3A_196 = arith.constant dense<2147483647> : vector<256xi32>
    %reduce_min3A_197 = vector.multi_reduction <minsi>, %select_n3A_195, %reduce_min3A_196 [1] : vector<256x196xi32> to vector<256xi32>
    %broadcast_in_dim3A_198 = vector.shape_cast %reduce_min3A_197 : vector<256xi32> to vector<256x1xi32>
    %slice3A_199 = vector.extract_strided_slice %and3A_28 {offsets = [0, 3], sizes = [256, 1], strides = [1, 1]} : vector<256x14xi1> to vector<256x1xi1>
    %slice3A_200 = vector.extract_strided_slice %add3A {offsets = [0, 3], sizes = [256, 1], strides = [1, 1]} : vector<256x14xi32> to vector<256x1xi32>
    %eq3A_201 = vector.broadcast %slice3A_200 : vector<256x1xi32> to vector<256x196xi32>
    %eq3A_202 = arith.cmpi eq, %iota3A, %eq3A_201 : vector<256x196xi32>
    %convert_element_type3A_203 = arith.extui %eq3A_202 : vector<256x196xi1> to vector<256x196xi32>
    %convert_element_type3A_204 = arith.sitofp %convert_element_type3A_203 : vector<256x196xi32> to vector<256x196xf32>
    %convert_element_type3A_205 = arith.truncf %convert_element_type3A_204 : vector<256x196xf32> to vector<256x196xbf16>
    %dot_general3A_206 = arith.constant dense<0.000000e+00> : vector<256x196xf32>
    %dot_general3A_207 = tpu.matmul %convert_element_type3A_205, %get3A_43, %dot_general3A_206 {dimension_numbers = #tpu.dot_dimension_numbers<[1], [0], [0], [1], [0, 0, 1, 1], [], []>, transpose_lhs_hint = false} : vector<256x196xbf16>, vector<196x196xbf16>, vector<256x196xf32> -> vector<256x196xf32>
    %jit3A_208 = arith.constant 0.000000e+00 : f32
    %broadcast_in_dim3A_209 = vector.shape_cast %slice3A_199 : vector<256x1xi1> to vector<256x1xi1>
    %broadcast_in_dim3A_210 = vector.broadcast %broadcast_in_dim3A_209 : vector<256x1xi1> to vector<256x196xi1>
    %broadcast_in_dim3A_211 = vector.broadcast %jit3A_208 : f32 to vector<256x196xf32>
    %select_n3A_212 = arith.select %broadcast_in_dim3A_210, %dot_general3A_207, %broadcast_in_dim3A_211 : vector<256x196xi1>, vector<256x196xf32>
    %sub3A_213 = arith.subf %get3A_187, %select_n3A_212 : vector<256x196xf32>
    %not3A_214 = arith.constant dense<true> : vector<256x1xi1>
    %not3A_215 = arith.xori %slice3A_199, %not3A_214 : vector<256x1xi1>
    %lt3A_216 = arith.constant 14 : i32
    %lt3A_217 = vector.broadcast %lt3A_216 : i32 to vector<256x196xi32>
    %lt3A_218 = arith.cmpi slt, %iota3A, %lt3A_217 : vector<256x196xi32>
    %and3A_219 = vector.broadcast %not3A_215 : vector<256x1xi1> to vector<256x196xi1>
    %and3A_220 = arith.andi %and3A_219, %lt3A_218 : vector<256x196xi1>
    %jit3A_221 = arith.constant 0.000000e+00 : f32
    %broadcast_in_dim3A_222 = vector.broadcast %jit3A_221 : f32 to vector<256x196xf32>
    %select_n3A_223 = arith.select %and3A_220, %broadcast_in_dim3A_222, %sub3A_213 : vector<256x196xi1>, vector<256x196xf32>
    %mul3A_224 = arith.mulf %select_n3A_223, %select_n3A_223 : vector<256x196xf32>
    %reduce_sum3A_225 = vector.shape_cast %mul3A_224 : vector<256x196xf32> to vector<1x256x196xf32>
    %reduce_sum3A_226 = arith.constant dense<0.000000e+00> : vector<1xf32>
    %reduce_sum3A_227 = vector.multi_reduction <add>, %reduce_sum3A_225, %reduce_sum3A_226 [1, 2] : vector<1x256x196xf32> to vector<1xf32>
    %reduce_sum3A_228 = vector.shape_cast %reduce_sum3A_227 : vector<1xf32> to vector<1x1x1xf32>
    %reduce_sum3A_229 = vector.extract %reduce_sum3A_228[0, 0, 0] : f32 from vector<1x1x1xf32>
    %add3A_230 = arith.addf %add3A_181, %reduce_sum3A_229 : f32
    %get3A_231 = arith.constant 0 : index
    %get3A_232 = arith.constant 0 : index
    %get3A_233 = arith.constant 4 : index
    %get3A_234 = arith.constant 0 : index
    %get3A_235 = vector.load %arg1[%get3A_231, %get3A_232, %get3A_233, %get3A_234] : memref<256x1x14x196xf32, #tpu.memory_space<vmem>>, vector<256x1x1x196xf32>
    %get3A_236 = vector.shape_cast %get3A_235 : vector<256x1x1x196xf32> to vector<256x196xf32>
    %reduce_max3A_237 = arith.constant dense<0xFF800000> : vector<256xf32>
    %reduce_max3A_238 = vector.multi_reduction <maximumf>, %get3A_236, %reduce_max3A_237 [1] : vector<256x196xf32> to vector<256xf32>
    %broadcast_in_dim3A_239 = vector.shape_cast %reduce_max3A_238 : vector<256xf32> to vector<256x1xf32>
    %eq3A_240 = vector.broadcast %broadcast_in_dim3A_239 : vector<256x1xf32> to vector<256x196xf32>
    %eq3A_241 = arith.cmpf oeq, %get3A_236, %eq3A_240 : vector<256x196xf32>
    %jit3A_242 = arith.constant 196 : i32
    %broadcast_in_dim3A_243 = vector.broadcast %jit3A_242 : i32 to vector<256x196xi32>
    %select_n3A_244 = arith.select %eq3A_241, %iota3A, %broadcast_in_dim3A_243 : vector<256x196xi1>, vector<256x196xi32>
    %reduce_min3A_245 = arith.constant dense<2147483647> : vector<256xi32>
    %reduce_min3A_246 = vector.multi_reduction <minsi>, %select_n3A_244, %reduce_min3A_245 [1] : vector<256x196xi32> to vector<256xi32>
    %broadcast_in_dim3A_247 = vector.shape_cast %reduce_min3A_246 : vector<256xi32> to vector<256x1xi32>
    %slice3A_248 = vector.extract_strided_slice %and3A_28 {offsets = [0, 4], sizes = [256, 1], strides = [1, 1]} : vector<256x14xi1> to vector<256x1xi1>
    %slice3A_249 = vector.extract_strided_slice %add3A {offsets = [0, 4], sizes = [256, 1], strides = [1, 1]} : vector<256x14xi32> to vector<256x1xi32>
    %eq3A_250 = vector.broadcast %slice3A_249 : vector<256x1xi32> to vector<256x196xi32>
    %eq3A_251 = arith.cmpi eq, %iota3A, %eq3A_250 : vector<256x196xi32>
    %convert_element_type3A_252 = arith.extui %eq3A_251 : vector<256x196xi1> to vector<256x196xi32>
    %convert_element_type3A_253 = arith.sitofp %convert_element_type3A_252 : vector<256x196xi32> to vector<256x196xf32>
    %convert_element_type3A_254 = arith.truncf %convert_element_type3A_253 : vector<256x196xf32> to vector<256x196xbf16>
    %dot_general3A_255 = arith.constant dense<0.000000e+00> : vector<256x196xf32>
    %dot_general3A_256 = tpu.matmul %convert_element_type3A_254, %get3A_43, %dot_general3A_255 {dimension_numbers = #tpu.dot_dimension_numbers<[1], [0], [0], [1], [0, 0, 1, 1], [], []>, transpose_lhs_hint = false} : vector<256x196xbf16>, vector<196x196xbf16>, vector<256x196xf32> -> vector<256x196xf32>
    %jit3A_257 = arith.constant 0.000000e+00 : f32
    %broadcast_in_dim3A_258 = vector.shape_cast %slice3A_248 : vector<256x1xi1> to vector<256x1xi1>
    %broadcast_in_dim3A_259 = vector.broadcast %broadcast_in_dim3A_258 : vector<256x1xi1> to vector<256x196xi1>
    %broadcast_in_dim3A_260 = vector.broadcast %jit3A_257 : f32 to vector<256x196xf32>
    %select_n3A_261 = arith.select %broadcast_in_dim3A_259, %dot_general3A_256, %broadcast_in_dim3A_260 : vector<256x196xi1>, vector<256x196xf32>
    %sub3A_262 = arith.subf %get3A_236, %select_n3A_261 : vector<256x196xf32>
    %not3A_263 = arith.constant dense<true> : vector<256x1xi1>
    %not3A_264 = arith.xori %slice3A_248, %not3A_263 : vector<256x1xi1>
    %lt3A_265 = arith.constant 14 : i32
    %lt3A_266 = vector.broadcast %lt3A_265 : i32 to vector<256x196xi32>
    %lt3A_267 = arith.cmpi slt, %iota3A, %lt3A_266 : vector<256x196xi32>
    %and3A_268 = vector.broadcast %not3A_264 : vector<256x1xi1> to vector<256x196xi1>
    %and3A_269 = arith.andi %and3A_268, %lt3A_267 : vector<256x196xi1>
    %jit3A_270 = arith.constant 0.000000e+00 : f32
    %broadcast_in_dim3A_271 = vector.broadcast %jit3A_270 : f32 to vector<256x196xf32>
    %select_n3A_272 = arith.select %and3A_269, %broadcast_in_dim3A_271, %sub3A_262 : vector<256x196xi1>, vector<256x196xf32>
    %mul3A_273 = arith.mulf %select_n3A_272, %select_n3A_272 : vector<256x196xf32>
    %reduce_sum3A_274 = vector.shape_cast %mul3A_273 : vector<256x196xf32> to vector<1x256x196xf32>
    %reduce_sum3A_275 = arith.constant dense<0.000000e+00> : vector<1xf32>
    %reduce_sum3A_276 = vector.multi_reduction <add>, %reduce_sum3A_274, %reduce_sum3A_275 [1, 2] : vector<1x256x196xf32> to vector<1xf32>
    %reduce_sum3A_277 = vector.shape_cast %reduce_sum3A_276 : vector<1xf32> to vector<1x1x1xf32>
    %reduce_sum3A_278 = vector.extract %reduce_sum3A_277[0, 0, 0] : f32 from vector<1x1x1xf32>
    %add3A_279 = arith.addf %add3A_230, %reduce_sum3A_278 : f32
    %get3A_280 = arith.constant 0 : index
    %get3A_281 = arith.constant 0 : index
    %get3A_282 = arith.constant 5 : index
    %get3A_283 = arith.constant 0 : index
    %get3A_284 = vector.load %arg1[%get3A_280, %get3A_281, %get3A_282, %get3A_283] : memref<256x1x14x196xf32, #tpu.memory_space<vmem>>, vector<256x1x1x196xf32>
    %get3A_285 = vector.shape_cast %get3A_284 : vector<256x1x1x196xf32> to vector<256x196xf32>
    %reduce_max3A_286 = arith.constant dense<0xFF800000> : vector<256xf32>
    %reduce_max3A_287 = vector.multi_reduction <maximumf>, %get3A_285, %reduce_max3A_286 [1] : vector<256x196xf32> to vector<256xf32>
    %broadcast_in_dim3A_288 = vector.shape_cast %reduce_max3A_287 : vector<256xf32> to vector<256x1xf32>
    %eq3A_289 = vector.broadcast %broadcast_in_dim3A_288 : vector<256x1xf32> to vector<256x196xf32>
    %eq3A_290 = arith.cmpf oeq, %get3A_285, %eq3A_289 : vector<256x196xf32>
    %jit3A_291 = arith.constant 196 : i32
    %broadcast_in_dim3A_292 = vector.broadcast %jit3A_291 : i32 to vector<256x196xi32>
    %select_n3A_293 = arith.select %eq3A_290, %iota3A, %broadcast_in_dim3A_292 : vector<256x196xi1>, vector<256x196xi32>
    %reduce_min3A_294 = arith.constant dense<2147483647> : vector<256xi32>
    %reduce_min3A_295 = vector.multi_reduction <minsi>, %select_n3A_293, %reduce_min3A_294 [1] : vector<256x196xi32> to vector<256xi32>
    %broadcast_in_dim3A_296 = vector.shape_cast %reduce_min3A_295 : vector<256xi32> to vector<256x1xi32>
    %slice3A_297 = vector.extract_strided_slice %and3A_28 {offsets = [0, 5], sizes = [256, 1], strides = [1, 1]} : vector<256x14xi1> to vector<256x1xi1>
    %slice3A_298 = vector.extract_strided_slice %add3A {offsets = [0, 5], sizes = [256, 1], strides = [1, 1]} : vector<256x14xi32> to vector<256x1xi32>
    %eq3A_299 = vector.broadcast %slice3A_298 : vector<256x1xi32> to vector<256x196xi32>
    %eq3A_300 = arith.cmpi eq, %iota3A, %eq3A_299 : vector<256x196xi32>
    %convert_element_type3A_301 = arith.extui %eq3A_300 : vector<256x196xi1> to vector<256x196xi32>
    %convert_element_type3A_302 = arith.sitofp %convert_element_type3A_301 : vector<256x196xi32> to vector<256x196xf32>
    %convert_element_type3A_303 = arith.truncf %convert_element_type3A_302 : vector<256x196xf32> to vector<256x196xbf16>
    %dot_general3A_304 = arith.constant dense<0.000000e+00> : vector<256x196xf32>
    %dot_general3A_305 = tpu.matmul %convert_element_type3A_303, %get3A_43, %dot_general3A_304 {dimension_numbers = #tpu.dot_dimension_numbers<[1], [0], [0], [1], [0, 0, 1, 1], [], []>, transpose_lhs_hint = false} : vector<256x196xbf16>, vector<196x196xbf16>, vector<256x196xf32> -> vector<256x196xf32>
    %jit3A_306 = arith.constant 0.000000e+00 : f32
    %broadcast_in_dim3A_307 = vector.shape_cast %slice3A_297 : vector<256x1xi1> to vector<256x1xi1>
    %broadcast_in_dim3A_308 = vector.broadcast %broadcast_in_dim3A_307 : vector<256x1xi1> to vector<256x196xi1>
    %broadcast_in_dim3A_309 = vector.broadcast %jit3A_306 : f32 to vector<256x196xf32>
    %select_n3A_310 = arith.select %broadcast_in_dim3A_308, %dot_general3A_305, %broadcast_in_dim3A_309 : vector<256x196xi1>, vector<256x196xf32>
    %sub3A_311 = arith.subf %get3A_285, %select_n3A_310 : vector<256x196xf32>
    %not3A_312 = arith.constant dense<true> : vector<256x1xi1>
    %not3A_313 = arith.xori %slice3A_297, %not3A_312 : vector<256x1xi1>
    %lt3A_314 = arith.constant 14 : i32
    %lt3A_315 = vector.broadcast %lt3A_314 : i32 to vector<256x196xi32>
    %lt3A_316 = arith.cmpi slt, %iota3A, %lt3A_315 : vector<256x196xi32>
    %and3A_317 = vector.broadcast %not3A_313 : vector<256x1xi1> to vector<256x196xi1>
    %and3A_318 = arith.andi %and3A_317, %lt3A_316 : vector<256x196xi1>
    %jit3A_319 = arith.constant 0.000000e+00 : f32
    %broadcast_in_dim3A_320 = vector.broadcast %jit3A_319 : f32 to vector<256x196xf32>
    %select_n3A_321 = arith.select %and3A_318, %broadcast_in_dim3A_320, %sub3A_311 : vector<256x196xi1>, vector<256x196xf32>
    %mul3A_322 = arith.mulf %select_n3A_321, %select_n3A_321 : vector<256x196xf32>
    %reduce_sum3A_323 = vector.shape_cast %mul3A_322 : vector<256x196xf32> to vector<1x256x196xf32>
    %reduce_sum3A_324 = arith.constant dense<0.000000e+00> : vector<1xf32>
    %reduce_sum3A_325 = vector.multi_reduction <add>, %reduce_sum3A_323, %reduce_sum3A_324 [1, 2] : vector<1x256x196xf32> to vector<1xf32>
    %reduce_sum3A_326 = vector.shape_cast %reduce_sum3A_325 : vector<1xf32> to vector<1x1x1xf32>
    %reduce_sum3A_327 = vector.extract %reduce_sum3A_326[0, 0, 0] : f32 from vector<1x1x1xf32>
    %add3A_328 = arith.addf %add3A_279, %reduce_sum3A_327 : f32
    %get3A_329 = arith.constant 0 : index
    %get3A_330 = arith.constant 0 : index
    %get3A_331 = arith.constant 6 : index
    %get3A_332 = arith.constant 0 : index
    %get3A_333 = vector.load %arg1[%get3A_329, %get3A_330, %get3A_331, %get3A_332] : memref<256x1x14x196xf32, #tpu.memory_space<vmem>>, vector<256x1x1x196xf32>
    %get3A_334 = vector.shape_cast %get3A_333 : vector<256x1x1x196xf32> to vector<256x196xf32>
    %reduce_max3A_335 = arith.constant dense<0xFF800000> : vector<256xf32>
    %reduce_max3A_336 = vector.multi_reduction <maximumf>, %get3A_334, %reduce_max3A_335 [1] : vector<256x196xf32> to vector<256xf32>
    %broadcast_in_dim3A_337 = vector.shape_cast %reduce_max3A_336 : vector<256xf32> to vector<256x1xf32>
    %eq3A_338 = vector.broadcast %broadcast_in_dim3A_337 : vector<256x1xf32> to vector<256x196xf32>
    %eq3A_339 = arith.cmpf oeq, %get3A_334, %eq3A_338 : vector<256x196xf32>
    %jit3A_340 = arith.constant 196 : i32
    %broadcast_in_dim3A_341 = vector.broadcast %jit3A_340 : i32 to vector<256x196xi32>
    %select_n3A_342 = arith.select %eq3A_339, %iota3A, %broadcast_in_dim3A_341 : vector<256x196xi1>, vector<256x196xi32>
    %reduce_min3A_343 = arith.constant dense<2147483647> : vector<256xi32>
    %reduce_min3A_344 = vector.multi_reduction <minsi>, %select_n3A_342, %reduce_min3A_343 [1] : vector<256x196xi32> to vector<256xi32>
    %broadcast_in_dim3A_345 = vector.shape_cast %reduce_min3A_344 : vector<256xi32> to vector<256x1xi32>
    %slice3A_346 = vector.extract_strided_slice %and3A_28 {offsets = [0, 6], sizes = [256, 1], strides = [1, 1]} : vector<256x14xi1> to vector<256x1xi1>
    %slice3A_347 = vector.extract_strided_slice %add3A {offsets = [0, 6], sizes = [256, 1], strides = [1, 1]} : vector<256x14xi32> to vector<256x1xi32>
    %eq3A_348 = vector.broadcast %slice3A_347 : vector<256x1xi32> to vector<256x196xi32>
    %eq3A_349 = arith.cmpi eq, %iota3A, %eq3A_348 : vector<256x196xi32>
    %convert_element_type3A_350 = arith.extui %eq3A_349 : vector<256x196xi1> to vector<256x196xi32>
    %convert_element_type3A_351 = arith.sitofp %convert_element_type3A_350 : vector<256x196xi32> to vector<256x196xf32>
    %convert_element_type3A_352 = arith.truncf %convert_element_type3A_351 : vector<256x196xf32> to vector<256x196xbf16>
    %dot_general3A_353 = arith.constant dense<0.000000e+00> : vector<256x196xf32>
    %dot_general3A_354 = tpu.matmul %convert_element_type3A_352, %get3A_43, %dot_general3A_353 {dimension_numbers = #tpu.dot_dimension_numbers<[1], [0], [0], [1], [0, 0, 1, 1], [], []>, transpose_lhs_hint = false} : vector<256x196xbf16>, vector<196x196xbf16>, vector<256x196xf32> -> vector<256x196xf32>
    %jit3A_355 = arith.constant 0.000000e+00 : f32
    %broadcast_in_dim3A_356 = vector.shape_cast %slice3A_346 : vector<256x1xi1> to vector<256x1xi1>
    %broadcast_in_dim3A_357 = vector.broadcast %broadcast_in_dim3A_356 : vector<256x1xi1> to vector<256x196xi1>
    %broadcast_in_dim3A_358 = vector.broadcast %jit3A_355 : f32 to vector<256x196xf32>
    %select_n3A_359 = arith.select %broadcast_in_dim3A_357, %dot_general3A_354, %broadcast_in_dim3A_358 : vector<256x196xi1>, vector<256x196xf32>
    %sub3A_360 = arith.subf %get3A_334, %select_n3A_359 : vector<256x196xf32>
    %not3A_361 = arith.constant dense<true> : vector<256x1xi1>
    %not3A_362 = arith.xori %slice3A_346, %not3A_361 : vector<256x1xi1>
    %lt3A_363 = arith.constant 14 : i32
    %lt3A_364 = vector.broadcast %lt3A_363 : i32 to vector<256x196xi32>
    %lt3A_365 = arith.cmpi slt, %iota3A, %lt3A_364 : vector<256x196xi32>
    %and3A_366 = vector.broadcast %not3A_362 : vector<256x1xi1> to vector<256x196xi1>
    %and3A_367 = arith.andi %and3A_366, %lt3A_365 : vector<256x196xi1>
    %jit3A_368 = arith.constant 0.000000e+00 : f32
    %broadcast_in_dim3A_369 = vector.broadcast %jit3A_368 : f32 to vector<256x196xf32>
    %select_n3A_370 = arith.select %and3A_367, %broadcast_in_dim3A_369, %sub3A_360 : vector<256x196xi1>, vector<256x196xf32>
    %mul3A_371 = arith.mulf %select_n3A_370, %select_n3A_370 : vector<256x196xf32>
    %reduce_sum3A_372 = vector.shape_cast %mul3A_371 : vector<256x196xf32> to vector<1x256x196xf32>
    %reduce_sum3A_373 = arith.constant dense<0.000000e+00> : vector<1xf32>
    %reduce_sum3A_374 = vector.multi_reduction <add>, %reduce_sum3A_372, %reduce_sum3A_373 [1, 2] : vector<1x256x196xf32> to vector<1xf32>
    %reduce_sum3A_375 = vector.shape_cast %reduce_sum3A_374 : vector<1xf32> to vector<1x1x1xf32>
    %reduce_sum3A_376 = vector.extract %reduce_sum3A_375[0, 0, 0] : f32 from vector<1x1x1xf32>
    %add3A_377 = arith.addf %add3A_328, %reduce_sum3A_376 : f32
    %get3A_378 = arith.constant 0 : index
    %get3A_379 = arith.constant 0 : index
    %get3A_380 = arith.constant 7 : index
    %get3A_381 = arith.constant 0 : index
    %get3A_382 = vector.load %arg1[%get3A_378, %get3A_379, %get3A_380, %get3A_381] : memref<256x1x14x196xf32, #tpu.memory_space<vmem>>, vector<256x1x1x196xf32>
    %get3A_383 = vector.shape_cast %get3A_382 : vector<256x1x1x196xf32> to vector<256x196xf32>
    %reduce_max3A_384 = arith.constant dense<0xFF800000> : vector<256xf32>
    %reduce_max3A_385 = vector.multi_reduction <maximumf>, %get3A_383, %reduce_max3A_384 [1] : vector<256x196xf32> to vector<256xf32>
    %broadcast_in_dim3A_386 = vector.shape_cast %reduce_max3A_385 : vector<256xf32> to vector<256x1xf32>
    %eq3A_387 = vector.broadcast %broadcast_in_dim3A_386 : vector<256x1xf32> to vector<256x196xf32>
    %eq3A_388 = arith.cmpf oeq, %get3A_383, %eq3A_387 : vector<256x196xf32>
    %jit3A_389 = arith.constant 196 : i32
    %broadcast_in_dim3A_390 = vector.broadcast %jit3A_389 : i32 to vector<256x196xi32>
    %select_n3A_391 = arith.select %eq3A_388, %iota3A, %broadcast_in_dim3A_390 : vector<256x196xi1>, vector<256x196xi32>
    %reduce_min3A_392 = arith.constant dense<2147483647> : vector<256xi32>
    %reduce_min3A_393 = vector.multi_reduction <minsi>, %select_n3A_391, %reduce_min3A_392 [1] : vector<256x196xi32> to vector<256xi32>
    %broadcast_in_dim3A_394 = vector.shape_cast %reduce_min3A_393 : vector<256xi32> to vector<256x1xi32>
    %slice3A_395 = vector.extract_strided_slice %and3A_28 {offsets = [0, 7], sizes = [256, 1], strides = [1, 1]} : vector<256x14xi1> to vector<256x1xi1>
    %slice3A_396 = vector.extract_strided_slice %add3A {offsets = [0, 7], sizes = [256, 1], strides = [1, 1]} : vector<256x14xi32> to vector<256x1xi32>
    %eq3A_397 = vector.broadcast %slice3A_396 : vector<256x1xi32> to vector<256x196xi32>
    %eq3A_398 = arith.cmpi eq, %iota3A, %eq3A_397 : vector<256x196xi32>
    %convert_element_type3A_399 = arith.extui %eq3A_398 : vector<256x196xi1> to vector<256x196xi32>
    %convert_element_type3A_400 = arith.sitofp %convert_element_type3A_399 : vector<256x196xi32> to vector<256x196xf32>
    %convert_element_type3A_401 = arith.truncf %convert_element_type3A_400 : vector<256x196xf32> to vector<256x196xbf16>
    %dot_general3A_402 = arith.constant dense<0.000000e+00> : vector<256x196xf32>
    %dot_general3A_403 = tpu.matmul %convert_element_type3A_401, %get3A_43, %dot_general3A_402 {dimension_numbers = #tpu.dot_dimension_numbers<[1], [0], [0], [1], [0, 0, 1, 1], [], []>, transpose_lhs_hint = false} : vector<256x196xbf16>, vector<196x196xbf16>, vector<256x196xf32> -> vector<256x196xf32>
    %jit3A_404 = arith.constant 0.000000e+00 : f32
    %broadcast_in_dim3A_405 = vector.shape_cast %slice3A_395 : vector<256x1xi1> to vector<256x1xi1>
    %broadcast_in_dim3A_406 = vector.broadcast %broadcast_in_dim3A_405 : vector<256x1xi1> to vector<256x196xi1>
    %broadcast_in_dim3A_407 = vector.broadcast %jit3A_404 : f32 to vector<256x196xf32>
    %select_n3A_408 = arith.select %broadcast_in_dim3A_406, %dot_general3A_403, %broadcast_in_dim3A_407 : vector<256x196xi1>, vector<256x196xf32>
    %sub3A_409 = arith.subf %get3A_383, %select_n3A_408 : vector<256x196xf32>
    %not3A_410 = arith.constant dense<true> : vector<256x1xi1>
    %not3A_411 = arith.xori %slice3A_395, %not3A_410 : vector<256x1xi1>
    %lt3A_412 = arith.constant 14 : i32
    %lt3A_413 = vector.broadcast %lt3A_412 : i32 to vector<256x196xi32>
    %lt3A_414 = arith.cmpi slt, %iota3A, %lt3A_413 : vector<256x196xi32>
    %and3A_415 = vector.broadcast %not3A_411 : vector<256x1xi1> to vector<256x196xi1>
    %and3A_416 = arith.andi %and3A_415, %lt3A_414 : vector<256x196xi1>
    %jit3A_417 = arith.constant 0.000000e+00 : f32
    %broadcast_in_dim3A_418 = vector.broadcast %jit3A_417 : f32 to vector<256x196xf32>
    %select_n3A_419 = arith.select %and3A_416, %broadcast_in_dim3A_418, %sub3A_409 : vector<256x196xi1>, vector<256x196xf32>
    %mul3A_420 = arith.mulf %select_n3A_419, %select_n3A_419 : vector<256x196xf32>
    %reduce_sum3A_421 = vector.shape_cast %mul3A_420 : vector<256x196xf32> to vector<1x256x196xf32>
    %reduce_sum3A_422 = arith.constant dense<0.000000e+00> : vector<1xf32>
    %reduce_sum3A_423 = vector.multi_reduction <add>, %reduce_sum3A_421, %reduce_sum3A_422 [1, 2] : vector<1x256x196xf32> to vector<1xf32>
    %reduce_sum3A_424 = vector.shape_cast %reduce_sum3A_423 : vector<1xf32> to vector<1x1x1xf32>
    %reduce_sum3A_425 = vector.extract %reduce_sum3A_424[0, 0, 0] : f32 from vector<1x1x1xf32>
    %add3A_426 = arith.addf %add3A_377, %reduce_sum3A_425 : f32
    %get3A_427 = arith.constant 0 : index
    %get3A_428 = arith.constant 0 : index
    %get3A_429 = arith.constant 8 : index
    %get3A_430 = arith.constant 0 : index
    %get3A_431 = vector.load %arg1[%get3A_427, %get3A_428, %get3A_429, %get3A_430] : memref<256x1x14x196xf32, #tpu.memory_space<vmem>>, vector<256x1x1x196xf32>
    %get3A_432 = vector.shape_cast %get3A_431 : vector<256x1x1x196xf32> to vector<256x196xf32>
    %reduce_max3A_433 = arith.constant dense<0xFF800000> : vector<256xf32>
    %reduce_max3A_434 = vector.multi_reduction <maximumf>, %get3A_432, %reduce_max3A_433 [1] : vector<256x196xf32> to vector<256xf32>
    %broadcast_in_dim3A_435 = vector.shape_cast %reduce_max3A_434 : vector<256xf32> to vector<256x1xf32>
    %eq3A_436 = vector.broadcast %broadcast_in_dim3A_435 : vector<256x1xf32> to vector<256x196xf32>
    %eq3A_437 = arith.cmpf oeq, %get3A_432, %eq3A_436 : vector<256x196xf32>
    %jit3A_438 = arith.constant 196 : i32
    %broadcast_in_dim3A_439 = vector.broadcast %jit3A_438 : i32 to vector<256x196xi32>
    %select_n3A_440 = arith.select %eq3A_437, %iota3A, %broadcast_in_dim3A_439 : vector<256x196xi1>, vector<256x196xi32>
    %reduce_min3A_441 = arith.constant dense<2147483647> : vector<256xi32>
    %reduce_min3A_442 = vector.multi_reduction <minsi>, %select_n3A_440, %reduce_min3A_441 [1] : vector<256x196xi32> to vector<256xi32>
    %broadcast_in_dim3A_443 = vector.shape_cast %reduce_min3A_442 : vector<256xi32> to vector<256x1xi32>
    %slice3A_444 = vector.extract_strided_slice %and3A_28 {offsets = [0, 8], sizes = [256, 1], strides = [1, 1]} : vector<256x14xi1> to vector<256x1xi1>
    %slice3A_445 = vector.extract_strided_slice %add3A {offsets = [0, 8], sizes = [256, 1], strides = [1, 1]} : vector<256x14xi32> to vector<256x1xi32>
    %eq3A_446 = vector.broadcast %slice3A_445 : vector<256x1xi32> to vector<256x196xi32>
    %eq3A_447 = arith.cmpi eq, %iota3A, %eq3A_446 : vector<256x196xi32>
    %convert_element_type3A_448 = arith.extui %eq3A_447 : vector<256x196xi1> to vector<256x196xi32>
    %convert_element_type3A_449 = arith.sitofp %convert_element_type3A_448 : vector<256x196xi32> to vector<256x196xf32>
    %convert_element_type3A_450 = arith.truncf %convert_element_type3A_449 : vector<256x196xf32> to vector<256x196xbf16>
    %dot_general3A_451 = arith.constant dense<0.000000e+00> : vector<256x196xf32>
    %dot_general3A_452 = tpu.matmul %convert_element_type3A_450, %get3A_43, %dot_general3A_451 {dimension_numbers = #tpu.dot_dimension_numbers<[1], [0], [0], [1], [0, 0, 1, 1], [], []>, transpose_lhs_hint = false} : vector<256x196xbf16>, vector<196x196xbf16>, vector<256x196xf32> -> vector<256x196xf32>
    %jit3A_453 = arith.constant 0.000000e+00 : f32
    %broadcast_in_dim3A_454 = vector.shape_cast %slice3A_444 : vector<256x1xi1> to vector<256x1xi1>
    %broadcast_in_dim3A_455 = vector.broadcast %broadcast_in_dim3A_454 : vector<256x1xi1> to vector<256x196xi1>
    %broadcast_in_dim3A_456 = vector.broadcast %jit3A_453 : f32 to vector<256x196xf32>
    %select_n3A_457 = arith.select %broadcast_in_dim3A_455, %dot_general3A_452, %broadcast_in_dim3A_456 : vector<256x196xi1>, vector<256x196xf32>
    %sub3A_458 = arith.subf %get3A_432, %select_n3A_457 : vector<256x196xf32>
    %not3A_459 = arith.constant dense<true> : vector<256x1xi1>
    %not3A_460 = arith.xori %slice3A_444, %not3A_459 : vector<256x1xi1>
    %lt3A_461 = arith.constant 14 : i32
    %lt3A_462 = vector.broadcast %lt3A_461 : i32 to vector<256x196xi32>
    %lt3A_463 = arith.cmpi slt, %iota3A, %lt3A_462 : vector<256x196xi32>
    %and3A_464 = vector.broadcast %not3A_460 : vector<256x1xi1> to vector<256x196xi1>
    %and3A_465 = arith.andi %and3A_464, %lt3A_463 : vector<256x196xi1>
    %jit3A_466 = arith.constant 0.000000e+00 : f32
    %broadcast_in_dim3A_467 = vector.broadcast %jit3A_466 : f32 to vector<256x196xf32>
    %select_n3A_468 = arith.select %and3A_465, %broadcast_in_dim3A_467, %sub3A_458 : vector<256x196xi1>, vector<256x196xf32>
    %mul3A_469 = arith.mulf %select_n3A_468, %select_n3A_468 : vector<256x196xf32>
    %reduce_sum3A_470 = vector.shape_cast %mul3A_469 : vector<256x196xf32> to vector<1x256x196xf32>
    %reduce_sum3A_471 = arith.constant dense<0.000000e+00> : vector<1xf32>
    %reduce_sum3A_472 = vector.multi_reduction <add>, %reduce_sum3A_470, %reduce_sum3A_471 [1, 2] : vector<1x256x196xf32> to vector<1xf32>
    %reduce_sum3A_473 = vector.shape_cast %reduce_sum3A_472 : vector<1xf32> to vector<1x1x1xf32>
    %reduce_sum3A_474 = vector.extract %reduce_sum3A_473[0, 0, 0] : f32 from vector<1x1x1xf32>
    %add3A_475 = arith.addf %add3A_426, %reduce_sum3A_474 : f32
    %get3A_476 = arith.constant 0 : index
    %get3A_477 = arith.constant 0 : index
    %get3A_478 = arith.constant 9 : index
    %get3A_479 = arith.constant 0 : index
    %get3A_480 = vector.load %arg1[%get3A_476, %get3A_477, %get3A_478, %get3A_479] : memref<256x1x14x196xf32, #tpu.memory_space<vmem>>, vector<256x1x1x196xf32>
    %get3A_481 = vector.shape_cast %get3A_480 : vector<256x1x1x196xf32> to vector<256x196xf32>
    %reduce_max3A_482 = arith.constant dense<0xFF800000> : vector<256xf32>
    %reduce_max3A_483 = vector.multi_reduction <maximumf>, %get3A_481, %reduce_max3A_482 [1] : vector<256x196xf32> to vector<256xf32>
    %broadcast_in_dim3A_484 = vector.shape_cast %reduce_max3A_483 : vector<256xf32> to vector<256x1xf32>
    %eq3A_485 = vector.broadcast %broadcast_in_dim3A_484 : vector<256x1xf32> to vector<256x196xf32>
    %eq3A_486 = arith.cmpf oeq, %get3A_481, %eq3A_485 : vector<256x196xf32>
    %jit3A_487 = arith.constant 196 : i32
    %broadcast_in_dim3A_488 = vector.broadcast %jit3A_487 : i32 to vector<256x196xi32>
    %select_n3A_489 = arith.select %eq3A_486, %iota3A, %broadcast_in_dim3A_488 : vector<256x196xi1>, vector<256x196xi32>
    %reduce_min3A_490 = arith.constant dense<2147483647> : vector<256xi32>
    %reduce_min3A_491 = vector.multi_reduction <minsi>, %select_n3A_489, %reduce_min3A_490 [1] : vector<256x196xi32> to vector<256xi32>
    %broadcast_in_dim3A_492 = vector.shape_cast %reduce_min3A_491 : vector<256xi32> to vector<256x1xi32>
    %slice3A_493 = vector.extract_strided_slice %and3A_28 {offsets = [0, 9], sizes = [256, 1], strides = [1, 1]} : vector<256x14xi1> to vector<256x1xi1>
    %slice3A_494 = vector.extract_strided_slice %add3A {offsets = [0, 9], sizes = [256, 1], strides = [1, 1]} : vector<256x14xi32> to vector<256x1xi32>
    %eq3A_495 = vector.broadcast %slice3A_494 : vector<256x1xi32> to vector<256x196xi32>
    %eq3A_496 = arith.cmpi eq, %iota3A, %eq3A_495 : vector<256x196xi32>
    %convert_element_type3A_497 = arith.extui %eq3A_496 : vector<256x196xi1> to vector<256x196xi32>
    %convert_element_type3A_498 = arith.sitofp %convert_element_type3A_497 : vector<256x196xi32> to vector<256x196xf32>
    %convert_element_type3A_499 = arith.truncf %convert_element_type3A_498 : vector<256x196xf32> to vector<256x196xbf16>
    %dot_general3A_500 = arith.constant dense<0.000000e+00> : vector<256x196xf32>
    %dot_general3A_501 = tpu.matmul %convert_element_type3A_499, %get3A_43, %dot_general3A_500 {dimension_numbers = #tpu.dot_dimension_numbers<[1], [0], [0], [1], [0, 0, 1, 1], [], []>, transpose_lhs_hint = false} : vector<256x196xbf16>, vector<196x196xbf16>, vector<256x196xf32> -> vector<256x196xf32>
    %jit3A_502 = arith.constant 0.000000e+00 : f32
    %broadcast_in_dim3A_503 = vector.shape_cast %slice3A_493 : vector<256x1xi1> to vector<256x1xi1>
    %broadcast_in_dim3A_504 = vector.broadcast %broadcast_in_dim3A_503 : vector<256x1xi1> to vector<256x196xi1>
    %broadcast_in_dim3A_505 = vector.broadcast %jit3A_502 : f32 to vector<256x196xf32>
    %select_n3A_506 = arith.select %broadcast_in_dim3A_504, %dot_general3A_501, %broadcast_in_dim3A_505 : vector<256x196xi1>, vector<256x196xf32>
    %sub3A_507 = arith.subf %get3A_481, %select_n3A_506 : vector<256x196xf32>
    %not3A_508 = arith.constant dense<true> : vector<256x1xi1>
    %not3A_509 = arith.xori %slice3A_493, %not3A_508 : vector<256x1xi1>
    %lt3A_510 = arith.constant 14 : i32
    %lt3A_511 = vector.broadcast %lt3A_510 : i32 to vector<256x196xi32>
    %lt3A_512 = arith.cmpi slt, %iota3A, %lt3A_511 : vector<256x196xi32>
    %and3A_513 = vector.broadcast %not3A_509 : vector<256x1xi1> to vector<256x196xi1>
    %and3A_514 = arith.andi %and3A_513, %lt3A_512 : vector<256x196xi1>
    %jit3A_515 = arith.constant 0.000000e+00 : f32
    %broadcast_in_dim3A_516 = vector.broadcast %jit3A_515 : f32 to vector<256x196xf32>
    %select_n3A_517 = arith.select %and3A_514, %broadcast_in_dim3A_516, %sub3A_507 : vector<256x196xi1>, vector<256x196xf32>
    %mul3A_518 = arith.mulf %select_n3A_517, %select_n3A_517 : vector<256x196xf32>
    %reduce_sum3A_519 = vector.shape_cast %mul3A_518 : vector<256x196xf32> to vector<1x256x196xf32>
    %reduce_sum3A_520 = arith.constant dense<0.000000e+00> : vector<1xf32>
    %reduce_sum3A_521 = vector.multi_reduction <add>, %reduce_sum3A_519, %reduce_sum3A_520 [1, 2] : vector<1x256x196xf32> to vector<1xf32>
    %reduce_sum3A_522 = vector.shape_cast %reduce_sum3A_521 : vector<1xf32> to vector<1x1x1xf32>
    %reduce_sum3A_523 = vector.extract %reduce_sum3A_522[0, 0, 0] : f32 from vector<1x1x1xf32>
    %add3A_524 = arith.addf %add3A_475, %reduce_sum3A_523 : f32
    %get3A_525 = arith.constant 0 : index
    %get3A_526 = arith.constant 0 : index
    %get3A_527 = arith.constant 10 : index
    %get3A_528 = arith.constant 0 : index
    %get3A_529 = vector.load %arg1[%get3A_525, %get3A_526, %get3A_527, %get3A_528] : memref<256x1x14x196xf32, #tpu.memory_space<vmem>>, vector<256x1x1x196xf32>
    %get3A_530 = vector.shape_cast %get3A_529 : vector<256x1x1x196xf32> to vector<256x196xf32>
    %reduce_max3A_531 = arith.constant dense<0xFF800000> : vector<256xf32>
    %reduce_max3A_532 = vector.multi_reduction <maximumf>, %get3A_530, %reduce_max3A_531 [1] : vector<256x196xf32> to vector<256xf32>
    %broadcast_in_dim3A_533 = vector.shape_cast %reduce_max3A_532 : vector<256xf32> to vector<256x1xf32>
    %eq3A_534 = vector.broadcast %broadcast_in_dim3A_533 : vector<256x1xf32> to vector<256x196xf32>
    %eq3A_535 = arith.cmpf oeq, %get3A_530, %eq3A_534 : vector<256x196xf32>
    %jit3A_536 = arith.constant 196 : i32
    %broadcast_in_dim3A_537 = vector.broadcast %jit3A_536 : i32 to vector<256x196xi32>
    %select_n3A_538 = arith.select %eq3A_535, %iota3A, %broadcast_in_dim3A_537 : vector<256x196xi1>, vector<256x196xi32>
    %reduce_min3A_539 = arith.constant dense<2147483647> : vector<256xi32>
    %reduce_min3A_540 = vector.multi_reduction <minsi>, %select_n3A_538, %reduce_min3A_539 [1] : vector<256x196xi32> to vector<256xi32>
    %broadcast_in_dim3A_541 = vector.shape_cast %reduce_min3A_540 : vector<256xi32> to vector<256x1xi32>
    %slice3A_542 = vector.extract_strided_slice %and3A_28 {offsets = [0, 10], sizes = [256, 1], strides = [1, 1]} : vector<256x14xi1> to vector<256x1xi1>
    %slice3A_543 = vector.extract_strided_slice %add3A {offsets = [0, 10], sizes = [256, 1], strides = [1, 1]} : vector<256x14xi32> to vector<256x1xi32>
    %eq3A_544 = vector.broadcast %slice3A_543 : vector<256x1xi32> to vector<256x196xi32>
    %eq3A_545 = arith.cmpi eq, %iota3A, %eq3A_544 : vector<256x196xi32>
    %convert_element_type3A_546 = arith.extui %eq3A_545 : vector<256x196xi1> to vector<256x196xi32>
    %convert_element_type3A_547 = arith.sitofp %convert_element_type3A_546 : vector<256x196xi32> to vector<256x196xf32>
    %convert_element_type3A_548 = arith.truncf %convert_element_type3A_547 : vector<256x196xf32> to vector<256x196xbf16>
    %dot_general3A_549 = arith.constant dense<0.000000e+00> : vector<256x196xf32>
    %dot_general3A_550 = tpu.matmul %convert_element_type3A_548, %get3A_43, %dot_general3A_549 {dimension_numbers = #tpu.dot_dimension_numbers<[1], [0], [0], [1], [0, 0, 1, 1], [], []>, transpose_lhs_hint = false} : vector<256x196xbf16>, vector<196x196xbf16>, vector<256x196xf32> -> vector<256x196xf32>
    %jit3A_551 = arith.constant 0.000000e+00 : f32
    %broadcast_in_dim3A_552 = vector.shape_cast %slice3A_542 : vector<256x1xi1> to vector<256x1xi1>
    %broadcast_in_dim3A_553 = vector.broadcast %broadcast_in_dim3A_552 : vector<256x1xi1> to vector<256x196xi1>
    %broadcast_in_dim3A_554 = vector.broadcast %jit3A_551 : f32 to vector<256x196xf32>
    %select_n3A_555 = arith.select %broadcast_in_dim3A_553, %dot_general3A_550, %broadcast_in_dim3A_554 : vector<256x196xi1>, vector<256x196xf32>
    %sub3A_556 = arith.subf %get3A_530, %select_n3A_555 : vector<256x196xf32>
    %not3A_557 = arith.constant dense<true> : vector<256x1xi1>
    %not3A_558 = arith.xori %slice3A_542, %not3A_557 : vector<256x1xi1>
    %lt3A_559 = arith.constant 14 : i32
    %lt3A_560 = vector.broadcast %lt3A_559 : i32 to vector<256x196xi32>
    %lt3A_561 = arith.cmpi slt, %iota3A, %lt3A_560 : vector<256x196xi32>
    %and3A_562 = vector.broadcast %not3A_558 : vector<256x1xi1> to vector<256x196xi1>
    %and3A_563 = arith.andi %and3A_562, %lt3A_561 : vector<256x196xi1>
    %jit3A_564 = arith.constant 0.000000e+00 : f32
    %broadcast_in_dim3A_565 = vector.broadcast %jit3A_564 : f32 to vector<256x196xf32>
    %select_n3A_566 = arith.select %and3A_563, %broadcast_in_dim3A_565, %sub3A_556 : vector<256x196xi1>, vector<256x196xf32>
    %mul3A_567 = arith.mulf %select_n3A_566, %select_n3A_566 : vector<256x196xf32>
    %reduce_sum3A_568 = vector.shape_cast %mul3A_567 : vector<256x196xf32> to vector<1x256x196xf32>
    %reduce_sum3A_569 = arith.constant dense<0.000000e+00> : vector<1xf32>
    %reduce_sum3A_570 = vector.multi_reduction <add>, %reduce_sum3A_568, %reduce_sum3A_569 [1, 2] : vector<1x256x196xf32> to vector<1xf32>
    %reduce_sum3A_571 = vector.shape_cast %reduce_sum3A_570 : vector<1xf32> to vector<1x1x1xf32>
    %reduce_sum3A_572 = vector.extract %reduce_sum3A_571[0, 0, 0] : f32 from vector<1x1x1xf32>
    %add3A_573 = arith.addf %add3A_524, %reduce_sum3A_572 : f32
    %get3A_574 = arith.constant 0 : index
    %get3A_575 = arith.constant 0 : index
    %get3A_576 = arith.constant 11 : index
    %get3A_577 = arith.constant 0 : index
    %get3A_578 = vector.load %arg1[%get3A_574, %get3A_575, %get3A_576, %get3A_577] : memref<256x1x14x196xf32, #tpu.memory_space<vmem>>, vector<256x1x1x196xf32>
    %get3A_579 = vector.shape_cast %get3A_578 : vector<256x1x1x196xf32> to vector<256x196xf32>
    %reduce_max3A_580 = arith.constant dense<0xFF800000> : vector<256xf32>
    %reduce_max3A_581 = vector.multi_reduction <maximumf>, %get3A_579, %reduce_max3A_580 [1] : vector<256x196xf32> to vector<256xf32>
    %broadcast_in_dim3A_582 = vector.shape_cast %reduce_max3A_581 : vector<256xf32> to vector<256x1xf32>
    %eq3A_583 = vector.broadcast %broadcast_in_dim3A_582 : vector<256x1xf32> to vector<256x196xf32>
    %eq3A_584 = arith.cmpf oeq, %get3A_579, %eq3A_583 : vector<256x196xf32>
    %jit3A_585 = arith.constant 196 : i32
    %broadcast_in_dim3A_586 = vector.broadcast %jit3A_585 : i32 to vector<256x196xi32>
    %select_n3A_587 = arith.select %eq3A_584, %iota3A, %broadcast_in_dim3A_586 : vector<256x196xi1>, vector<256x196xi32>
    %reduce_min3A_588 = arith.constant dense<2147483647> : vector<256xi32>
    %reduce_min3A_589 = vector.multi_reduction <minsi>, %select_n3A_587, %reduce_min3A_588 [1] : vector<256x196xi32> to vector<256xi32>
    %broadcast_in_dim3A_590 = vector.shape_cast %reduce_min3A_589 : vector<256xi32> to vector<256x1xi32>
    %slice3A_591 = vector.extract_strided_slice %and3A_28 {offsets = [0, 11], sizes = [256, 1], strides = [1, 1]} : vector<256x14xi1> to vector<256x1xi1>
    %slice3A_592 = vector.extract_strided_slice %add3A {offsets = [0, 11], sizes = [256, 1], strides = [1, 1]} : vector<256x14xi32> to vector<256x1xi32>
    %eq3A_593 = vector.broadcast %slice3A_592 : vector<256x1xi32> to vector<256x196xi32>
    %eq3A_594 = arith.cmpi eq, %iota3A, %eq3A_593 : vector<256x196xi32>
    %convert_element_type3A_595 = arith.extui %eq3A_594 : vector<256x196xi1> to vector<256x196xi32>
    %convert_element_type3A_596 = arith.sitofp %convert_element_type3A_595 : vector<256x196xi32> to vector<256x196xf32>
    %convert_element_type3A_597 = arith.truncf %convert_element_type3A_596 : vector<256x196xf32> to vector<256x196xbf16>
    %dot_general3A_598 = arith.constant dense<0.000000e+00> : vector<256x196xf32>
    %dot_general3A_599 = tpu.matmul %convert_element_type3A_597, %get3A_43, %dot_general3A_598 {dimension_numbers = #tpu.dot_dimension_numbers<[1], [0], [0], [1], [0, 0, 1, 1], [], []>, transpose_lhs_hint = false} : vector<256x196xbf16>, vector<196x196xbf16>, vector<256x196xf32> -> vector<256x196xf32>
    %jit3A_600 = arith.constant 0.000000e+00 : f32
    %broadcast_in_dim3A_601 = vector.shape_cast %slice3A_591 : vector<256x1xi1> to vector<256x1xi1>
    %broadcast_in_dim3A_602 = vector.broadcast %broadcast_in_dim3A_601 : vector<256x1xi1> to vector<256x196xi1>
    %broadcast_in_dim3A_603 = vector.broadcast %jit3A_600 : f32 to vector<256x196xf32>
    %select_n3A_604 = arith.select %broadcast_in_dim3A_602, %dot_general3A_599, %broadcast_in_dim3A_603 : vector<256x196xi1>, vector<256x196xf32>
    %sub3A_605 = arith.subf %get3A_579, %select_n3A_604 : vector<256x196xf32>
    %not3A_606 = arith.constant dense<true> : vector<256x1xi1>
    %not3A_607 = arith.xori %slice3A_591, %not3A_606 : vector<256x1xi1>
    %lt3A_608 = arith.constant 14 : i32
    %lt3A_609 = vector.broadcast %lt3A_608 : i32 to vector<256x196xi32>
    %lt3A_610 = arith.cmpi slt, %iota3A, %lt3A_609 : vector<256x196xi32>
    %and3A_611 = vector.broadcast %not3A_607 : vector<256x1xi1> to vector<256x196xi1>
    %and3A_612 = arith.andi %and3A_611, %lt3A_610 : vector<256x196xi1>
    %jit3A_613 = arith.constant 0.000000e+00 : f32
    %broadcast_in_dim3A_614 = vector.broadcast %jit3A_613 : f32 to vector<256x196xf32>
    %select_n3A_615 = arith.select %and3A_612, %broadcast_in_dim3A_614, %sub3A_605 : vector<256x196xi1>, vector<256x196xf32>
    %mul3A_616 = arith.mulf %select_n3A_615, %select_n3A_615 : vector<256x196xf32>
    %reduce_sum3A_617 = vector.shape_cast %mul3A_616 : vector<256x196xf32> to vector<1x256x196xf32>
    %reduce_sum3A_618 = arith.constant dense<0.000000e+00> : vector<1xf32>
    %reduce_sum3A_619 = vector.multi_reduction <add>, %reduce_sum3A_617, %reduce_sum3A_618 [1, 2] : vector<1x256x196xf32> to vector<1xf32>
    %reduce_sum3A_620 = vector.shape_cast %reduce_sum3A_619 : vector<1xf32> to vector<1x1x1xf32>
    %reduce_sum3A_621 = vector.extract %reduce_sum3A_620[0, 0, 0] : f32 from vector<1x1x1xf32>
    %add3A_622 = arith.addf %add3A_573, %reduce_sum3A_621 : f32
    %get3A_623 = arith.constant 0 : index
    %get3A_624 = arith.constant 0 : index
    %get3A_625 = arith.constant 12 : index
    %get3A_626 = arith.constant 0 : index
    %get3A_627 = vector.load %arg1[%get3A_623, %get3A_624, %get3A_625, %get3A_626] : memref<256x1x14x196xf32, #tpu.memory_space<vmem>>, vector<256x1x1x196xf32>
    %get3A_628 = vector.shape_cast %get3A_627 : vector<256x1x1x196xf32> to vector<256x196xf32>
    %reduce_max3A_629 = arith.constant dense<0xFF800000> : vector<256xf32>
    %reduce_max3A_630 = vector.multi_reduction <maximumf>, %get3A_628, %reduce_max3A_629 [1] : vector<256x196xf32> to vector<256xf32>
    %broadcast_in_dim3A_631 = vector.shape_cast %reduce_max3A_630 : vector<256xf32> to vector<256x1xf32>
    %eq3A_632 = vector.broadcast %broadcast_in_dim3A_631 : vector<256x1xf32> to vector<256x196xf32>
    %eq3A_633 = arith.cmpf oeq, %get3A_628, %eq3A_632 : vector<256x196xf32>
    %jit3A_634 = arith.constant 196 : i32
    %broadcast_in_dim3A_635 = vector.broadcast %jit3A_634 : i32 to vector<256x196xi32>
    %select_n3A_636 = arith.select %eq3A_633, %iota3A, %broadcast_in_dim3A_635 : vector<256x196xi1>, vector<256x196xi32>
    %reduce_min3A_637 = arith.constant dense<2147483647> : vector<256xi32>
    %reduce_min3A_638 = vector.multi_reduction <minsi>, %select_n3A_636, %reduce_min3A_637 [1] : vector<256x196xi32> to vector<256xi32>
    %broadcast_in_dim3A_639 = vector.shape_cast %reduce_min3A_638 : vector<256xi32> to vector<256x1xi32>
    %slice3A_640 = vector.extract_strided_slice %and3A_28 {offsets = [0, 12], sizes = [256, 1], strides = [1, 1]} : vector<256x14xi1> to vector<256x1xi1>
    %slice3A_641 = vector.extract_strided_slice %add3A {offsets = [0, 12], sizes = [256, 1], strides = [1, 1]} : vector<256x14xi32> to vector<256x1xi32>
    %eq3A_642 = vector.broadcast %slice3A_641 : vector<256x1xi32> to vector<256x196xi32>
    %eq3A_643 = arith.cmpi eq, %iota3A, %eq3A_642 : vector<256x196xi32>
    %convert_element_type3A_644 = arith.extui %eq3A_643 : vector<256x196xi1> to vector<256x196xi32>
    %convert_element_type3A_645 = arith.sitofp %convert_element_type3A_644 : vector<256x196xi32> to vector<256x196xf32>
    %convert_element_type3A_646 = arith.truncf %convert_element_type3A_645 : vector<256x196xf32> to vector<256x196xbf16>
    %dot_general3A_647 = arith.constant dense<0.000000e+00> : vector<256x196xf32>
    %dot_general3A_648 = tpu.matmul %convert_element_type3A_646, %get3A_43, %dot_general3A_647 {dimension_numbers = #tpu.dot_dimension_numbers<[1], [0], [0], [1], [0, 0, 1, 1], [], []>, transpose_lhs_hint = false} : vector<256x196xbf16>, vector<196x196xbf16>, vector<256x196xf32> -> vector<256x196xf32>
    %jit3A_649 = arith.constant 0.000000e+00 : f32
    %broadcast_in_dim3A_650 = vector.shape_cast %slice3A_640 : vector<256x1xi1> to vector<256x1xi1>
    %broadcast_in_dim3A_651 = vector.broadcast %broadcast_in_dim3A_650 : vector<256x1xi1> to vector<256x196xi1>
    %broadcast_in_dim3A_652 = vector.broadcast %jit3A_649 : f32 to vector<256x196xf32>
    %select_n3A_653 = arith.select %broadcast_in_dim3A_651, %dot_general3A_648, %broadcast_in_dim3A_652 : vector<256x196xi1>, vector<256x196xf32>
    %sub3A_654 = arith.subf %get3A_628, %select_n3A_653 : vector<256x196xf32>
    %not3A_655 = arith.constant dense<true> : vector<256x1xi1>
    %not3A_656 = arith.xori %slice3A_640, %not3A_655 : vector<256x1xi1>
    %lt3A_657 = arith.constant 14 : i32
    %lt3A_658 = vector.broadcast %lt3A_657 : i32 to vector<256x196xi32>
    %lt3A_659 = arith.cmpi slt, %iota3A, %lt3A_658 : vector<256x196xi32>
    %and3A_660 = vector.broadcast %not3A_656 : vector<256x1xi1> to vector<256x196xi1>
    %and3A_661 = arith.andi %and3A_660, %lt3A_659 : vector<256x196xi1>
    %jit3A_662 = arith.constant 0.000000e+00 : f32
    %broadcast_in_dim3A_663 = vector.broadcast %jit3A_662 : f32 to vector<256x196xf32>
    %select_n3A_664 = arith.select %and3A_661, %broadcast_in_dim3A_663, %sub3A_654 : vector<256x196xi1>, vector<256x196xf32>
    %mul3A_665 = arith.mulf %select_n3A_664, %select_n3A_664 : vector<256x196xf32>
    %reduce_sum3A_666 = vector.shape_cast %mul3A_665 : vector<256x196xf32> to vector<1x256x196xf32>
    %reduce_sum3A_667 = arith.constant dense<0.000000e+00> : vector<1xf32>
    %reduce_sum3A_668 = vector.multi_reduction <add>, %reduce_sum3A_666, %reduce_sum3A_667 [1, 2] : vector<1x256x196xf32> to vector<1xf32>
    %reduce_sum3A_669 = vector.shape_cast %reduce_sum3A_668 : vector<1xf32> to vector<1x1x1xf32>
    %reduce_sum3A_670 = vector.extract %reduce_sum3A_669[0, 0, 0] : f32 from vector<1x1x1xf32>
    %add3A_671 = arith.addf %add3A_622, %reduce_sum3A_670 : f32
    %get3A_672 = arith.constant 0 : index
    %get3A_673 = arith.constant 0 : index
    %get3A_674 = arith.constant 13 : index
    %get3A_675 = arith.constant 0 : index
    %get3A_676 = vector.load %arg1[%get3A_672, %get3A_673, %get3A_674, %get3A_675] : memref<256x1x14x196xf32, #tpu.memory_space<vmem>>, vector<256x1x1x196xf32>
    %get3A_677 = vector.shape_cast %get3A_676 : vector<256x1x1x196xf32> to vector<256x196xf32>
    %reduce_max3A_678 = arith.constant dense<0xFF800000> : vector<256xf32>
    %reduce_max3A_679 = vector.multi_reduction <maximumf>, %get3A_677, %reduce_max3A_678 [1] : vector<256x196xf32> to vector<256xf32>
    %broadcast_in_dim3A_680 = vector.shape_cast %reduce_max3A_679 : vector<256xf32> to vector<256x1xf32>
    %eq3A_681 = vector.broadcast %broadcast_in_dim3A_680 : vector<256x1xf32> to vector<256x196xf32>
    %eq3A_682 = arith.cmpf oeq, %get3A_677, %eq3A_681 : vector<256x196xf32>
    %jit3A_683 = arith.constant 196 : i32
    %broadcast_in_dim3A_684 = vector.broadcast %jit3A_683 : i32 to vector<256x196xi32>
    %select_n3A_685 = arith.select %eq3A_682, %iota3A, %broadcast_in_dim3A_684 : vector<256x196xi1>, vector<256x196xi32>
    %reduce_min3A_686 = arith.constant dense<2147483647> : vector<256xi32>
    %reduce_min3A_687 = vector.multi_reduction <minsi>, %select_n3A_685, %reduce_min3A_686 [1] : vector<256x196xi32> to vector<256xi32>
    %broadcast_in_dim3A_688 = vector.shape_cast %reduce_min3A_687 : vector<256xi32> to vector<256x1xi32>
    %slice3A_689 = vector.extract_strided_slice %and3A_28 {offsets = [0, 13], sizes = [256, 1], strides = [1, 1]} : vector<256x14xi1> to vector<256x1xi1>
    %slice3A_690 = vector.extract_strided_slice %add3A {offsets = [0, 13], sizes = [256, 1], strides = [1, 1]} : vector<256x14xi32> to vector<256x1xi32>
    %eq3A_691 = vector.broadcast %slice3A_690 : vector<256x1xi32> to vector<256x196xi32>
    %eq3A_692 = arith.cmpi eq, %iota3A, %eq3A_691 : vector<256x196xi32>
    %convert_element_type3A_693 = arith.extui %eq3A_692 : vector<256x196xi1> to vector<256x196xi32>
    %convert_element_type3A_694 = arith.sitofp %convert_element_type3A_693 : vector<256x196xi32> to vector<256x196xf32>
    %convert_element_type3A_695 = arith.truncf %convert_element_type3A_694 : vector<256x196xf32> to vector<256x196xbf16>
    %dot_general3A_696 = arith.constant dense<0.000000e+00> : vector<256x196xf32>
    %dot_general3A_697 = tpu.matmul %convert_element_type3A_695, %get3A_43, %dot_general3A_696 {dimension_numbers = #tpu.dot_dimension_numbers<[1], [0], [0], [1], [0, 0, 1, 1], [], []>, transpose_lhs_hint = false} : vector<256x196xbf16>, vector<196x196xbf16>, vector<256x196xf32> -> vector<256x196xf32>
    %jit3A_698 = arith.constant 0.000000e+00 : f32
    %broadcast_in_dim3A_699 = vector.shape_cast %slice3A_689 : vector<256x1xi1> to vector<256x1xi1>
    %broadcast_in_dim3A_700 = vector.broadcast %broadcast_in_dim3A_699 : vector<256x1xi1> to vector<256x196xi1>
    %broadcast_in_dim3A_701 = vector.broadcast %jit3A_698 : f32 to vector<256x196xf32>
    %select_n3A_702 = arith.select %broadcast_in_dim3A_700, %dot_general3A_697, %broadcast_in_dim3A_701 : vector<256x196xi1>, vector<256x196xf32>
    %sub3A_703 = arith.subf %get3A_677, %select_n3A_702 : vector<256x196xf32>
    %not3A_704 = arith.constant dense<true> : vector<256x1xi1>
    %not3A_705 = arith.xori %slice3A_689, %not3A_704 : vector<256x1xi1>
    %lt3A_706 = arith.constant 14 : i32
    %lt3A_707 = vector.broadcast %lt3A_706 : i32 to vector<256x196xi32>
    %lt3A_708 = arith.cmpi slt, %iota3A, %lt3A_707 : vector<256x196xi32>
    %and3A_709 = vector.broadcast %not3A_705 : vector<256x1xi1> to vector<256x196xi1>
    %and3A_710 = arith.andi %and3A_709, %lt3A_708 : vector<256x196xi1>
    %jit3A_711 = arith.constant 0.000000e+00 : f32
    %broadcast_in_dim3A_712 = vector.broadcast %jit3A_711 : f32 to vector<256x196xf32>
    %select_n3A_713 = arith.select %and3A_710, %broadcast_in_dim3A_712, %sub3A_703 : vector<256x196xi1>, vector<256x196xf32>
    %mul3A_714 = arith.mulf %select_n3A_713, %select_n3A_713 : vector<256x196xf32>
    %reduce_sum3A_715 = vector.shape_cast %mul3A_714 : vector<256x196xf32> to vector<1x256x196xf32>
    %reduce_sum3A_716 = arith.constant dense<0.000000e+00> : vector<1xf32>
    %reduce_sum3A_717 = vector.multi_reduction <add>, %reduce_sum3A_715, %reduce_sum3A_716 [1, 2] : vector<1x256x196xf32> to vector<1xf32>
    %reduce_sum3A_718 = vector.shape_cast %reduce_sum3A_717 : vector<1xf32> to vector<1x1x1xf32>
    %reduce_sum3A_719 = vector.extract %reduce_sum3A_718[0, 0, 0] : f32 from vector<1x1x1xf32>
    %add3A_720 = arith.addf %add3A_671, %reduce_sum3A_719 : f32
    %concatenate3A = tpu.concatenate %broadcast_in_dim3A_56, %broadcast_in_dim3A_100, %broadcast_in_dim3A_149, %broadcast_in_dim3A_198, %broadcast_in_dim3A_247, %broadcast_in_dim3A_296, %broadcast_in_dim3A_345, %broadcast_in_dim3A_394, %broadcast_in_dim3A_443, %broadcast_in_dim3A_492, %broadcast_in_dim3A_541, %broadcast_in_dim3A_590, %broadcast_in_dim3A_639, %broadcast_in_dim3A_688 in 1 : vector<256x1xi32>, vector<256x1xi32>, vector<256x1xi32>, vector<256x1xi32>, vector<256x1xi32>, vector<256x1xi32>, vector<256x1xi32>, vector<256x1xi32>, vector<256x1xi32>, vector<256x1xi32>, vector<256x1xi32>, vector<256x1xi32>, vector<256x1xi32>, vector<256x1xi32> -> vector<256x14xi32>
    %swap3A = arith.constant 0 : index
    %swap3A_721 = arith.constant 0 : index
    %swap3A_722 = vector.load %arg8[%swap3A, %swap3A_721] : memref<256x14xi32, #tpu.memory_space<vmem>>, vector<256x14xi32>
    tpu.vector_store %arg8[%swap3A, %swap3A_721], %concatenate3A {strides = array<i32>} : memref<256x14xi32, #tpu.memory_space<vmem>>, vector<256x14xi32>,
    %eq3A_723 = arith.constant 0 : i32
    %eq3A_724 = arith.cmpi eq, %arg0, %eq3A_723 : i32
    %convert_element_type3A_725 = arith.extui %eq3A_724 : i1 to i32
    %cond3A = arith.constant 0 : i32
    %cond3A_726 = arith.cmpi ne, %convert_element_type3A_725, %cond3A : i32
    scf.if %cond3A_726 {
      %swap3A_736 = arith.constant 0 : index
      %swap3A_737 = memref.load %arg9[%swap3A_736] : memref<1xf32, #tpu.memory_space<smem>>
      memref.store %add3A_720, %arg9[%swap3A_736] : memref<1xf32, #tpu.memory_space<smem>>
    } else {
    }
    %ne3A = arith.constant 0 : i32
    %ne3A_727 = arith.cmpi ne, %arg0, %ne3A : i32
    %convert_element_type3A_728 = arith.extui %ne3A_727 : i1 to i32
    %cond3A_729 = arith.constant 0 : i32
    %cond3A_730 = arith.cmpi ne, %convert_element_type3A_728, %cond3A_729 : i32
    scf.if %cond3A_730 {
      %get3A_736 = arith.constant 0 : index
      %get3A_737 = memref.load %arg9[%get3A_736] : memref<1xf32, #tpu.memory_space<smem>>
      %add3A_738 = arith.addf %get3A_737, %add3A_720 : f32
      %swap3A_739 = arith.constant 0 : index
      %swap3A_740 = memref.load %arg9[%swap3A_739] : memref<1xf32, #tpu.memory_space<smem>>
      memref.store %add3A_738, %arg9[%swap3A_739] : memref<1xf32, #tpu.memory_space<smem>>
    } else {
    }
    %eq3A_731 = arith.constant 15 : i32
    %eq3A_732 = arith.cmpi eq, %arg0, %eq3A_731 : i32
    %convert_element_type3A_733 = arith.extui %eq3A_732 : i1 to i32
    %cond3A_734 = arith.constant 0 : i32
    %cond3A_735 = arith.cmpi ne, %convert_element_type3A_733, %cond3A_734 : i32
    scf.if %cond3A_735 {
      %get3A_736 = arith.constant 0 : index
      %get3A_737 = memref.load %arg9[%get3A_736] : memref<1xf32, #tpu.memory_space<smem>>
      %broadcast_in_dim3A_738 = vector.broadcast %get3A_737 : f32 to vector<1x1xf32>
      %swap3A_739 = arith.constant 0 : index
      %swap3A_740 = arith.constant 0 : index
      %swap3A_741 = vector.load %arg7[%swap3A_739, %swap3A_740] : memref<1x1xf32, #tpu.memory_space<vmem>>, vector<1x1xf32>
      tpu.vector_store %arg7[%swap3A_739, %swap3A_740], %broadcast_in_dim3A_738 {strides = array<i32>} : memref<1x1xf32, #tpu.memory_space<vmem>>, vector<1x1xf32>,
    } else {
    }
    return
  }
  func.func @transform_0(%arg0: i32) -> (i32, i32, i32, i32) {
    %c0_i32 = arith.constant 0 : i32
    %c0_i32_0 = arith.constant 0 : i32
    %c0_i32_1 = arith.constant 0 : i32
    %c0_i32_2 = arith.constant 0 : i32
    return %arg0, %c0_i32, %c0_i32_0, %c0_i32_1 : i32, i32, i32, i32
  }
  func.func @transform_1(%arg0: i32) -> (i32, i32) {
    %c0_i32 = arith.constant 0 : i32
    %c0_i32_0 = arith.constant 0 : i32
    return %arg0, %c0_i32 : i32, i32
  }
  func.func @transform_2(%arg0: i32) -> (i32, i32) {
    %c0_i32 = arith.constant 0 : i32
    %c0_i32_0 = arith.constant 0 : i32
    return %arg0, %c0_i32 : i32, i32
  }
  func.func @transform_3(%arg0: i32) -> (i32, i32) {
    %c0_i32 = arith.constant 0 : i32
    %c0_i32_0 = arith.constant 0 : i32
    return %arg0, %c0_i32 : i32, i32
  }
  func.func @transform_4(%arg0: i32) -> (i32, i32) {
    %c0_i32 = arith.constant 0 : i32
    %c0_i32_0 = arith.constant 0 : i32
    return %arg0, %c0_i32 : i32, i32
  }
  func.func @transform_5(%arg0: i32) -> (i32, i32) {
    %c0_i32 = arith.constant 0 : i32
    %c0_i32_0 = arith.constant 0 : i32
    %c0_i32_1 = arith.constant 0 : i32
    return %c0_i32, %c0_i32_0 : i32, i32
  }
  func.func @transform_6(%arg0: i32) -> (i32, i32) {
    %c0_i32 = arith.constant 0 : i32
    %c0_i32_0 = arith.constant 0 : i32
    %c0_i32_1 = arith.constant 0 : i32
    return %c0_i32, %c0_i32_0 : i32, i32
  }
  func.func @transform_7(%arg0: i32) -> (i32, i32) {
    %c0_i32 = arith.constant 0 : i32
    %c0_i32_0 = arith.constant 0 : i32
    return %arg0, %c0_i32 : i32, i32
  }
}

module attributes {stable_mosaic.version = 14 : i64} {
  func.func @_epi_body(%arg0: i32, %arg1: memref<2x512x14xf32, #tpu.memory_space<vmem>>, %arg2: memref<512x14xi32, #tpu.memory_space<vmem>>, %arg3: memref<512x14xf32, #tpu.memory_space<vmem>>, %arg4: memref<512x14xf32, #tpu.memory_space<vmem>>, %arg5: memref<512x14xf32, #tpu.memory_space<vmem>>, %arg6: memref<512x14xf32, #tpu.memory_space<vmem>>, %arg7: memref<1x1xf32, #tpu.memory_space<vmem>>, %arg8: memref<1x1xf32, #tpu.memory_space<vmem>>, %arg9: memref<3xf32, #tpu.memory_space<smem>>) attributes {dimension_semantics = [#tpu.dimension_semantics<arbitrary>], iteration_bounds = array<i64: 8>, scalar_prefetch = 0 : i64, scratch_operands = 1 : i64, tpu.core_type = #tpu.core_type<tc>, window_params = [{transform_indices = @transform_0, window_bounds = array<i64: 2, 512, 14>}, {transform_indices = @transform_1, window_bounds = array<i64: 512, 14>}, {transform_indices = @transform_2, window_bounds = array<i64: 512, 14>}, {transform_indices = @transform_3, window_bounds = array<i64: 512, 14>}, {transform_indices = @transform_4, window_bounds = array<i64: 512, 14>}, {transform_indices = @transform_5, window_bounds = array<i64: 512, 14>}, {pipeline_mode = #tpu.pipeline_mode<synchronous>, transform_indices = @transform_6, window_bounds = array<i64: 1, 1>}, {pipeline_mode = #tpu.pipeline_mode<synchronous>, transform_indices = @transform_7, window_bounds = array<i64: 1, 1>}]} {
    %get3A = arith.constant 0 : index
    %get3A_0 = arith.constant 0 : index
    %get3A_1 = arith.constant 0 : index
    %get3A_2 = vector.load %arg1[%get3A, %get3A_0, %get3A_1] : memref<2x512x14xf32, #tpu.memory_space<vmem>>, vector<1x512x14xf32>
    %get3A_3 = vector.shape_cast %get3A_2 : vector<1x512x14xf32> to vector<512x14xf32>
    %get3A_4 = arith.constant 1 : index
    %get3A_5 = arith.constant 0 : index
    %get3A_6 = arith.constant 0 : index
    %get3A_7 = vector.load %arg1[%get3A_4, %get3A_5, %get3A_6] : memref<2x512x14xf32, #tpu.memory_space<vmem>>, vector<1x512x14xf32>
    %get3A_8 = vector.shape_cast %get3A_7 : vector<1x512x14xf32> to vector<512x14xf32>
    %get3A_9 = arith.constant 0 : index
    %get3A_10 = arith.constant 0 : index
    %get3A_11 = vector.load %arg2[%get3A_9, %get3A_10] : memref<512x14xi32, #tpu.memory_space<vmem>>, vector<512x14xi32>
    %jit3A = arith.constant 14 : i32
    %div3A = vector.broadcast %jit3A : i32 to vector<512x14xi32>
    %div3A_12 = arith.divsi %get3A_11, %div3A : vector<512x14xi32>
    %sign3A = arith.constant 0 : i32
    %sign3A_13 = vector.broadcast %sign3A : i32 to vector<512x14xi32>
    %sign3A_14 = arith.cmpi sgt, %get3A_11, %sign3A_13 : vector<512x14xi32>
    %sign3A_15 = arith.extui %sign3A_14 : vector<512x14xi1> to vector<512x14xi32>
    %sign3A_16 = arith.constant 0 : i32
    %sign3A_17 = vector.broadcast %sign3A_16 : i32 to vector<512x14xi32>
    %sign3A_18 = arith.cmpi slt, %get3A_11, %sign3A_17 : vector<512x14xi32>
    %sign3A_19 = arith.extui %sign3A_18 : vector<512x14xi1> to vector<512x14xi32>
    %sign3A_20 = arith.subi %sign3A_15, %sign3A_19 : vector<512x14xi32>
    %sign3A_21 = arith.constant 0 : i32
    %sign3A_22 = arith.cmpi sgt, %jit3A, %sign3A_21 : i32
    %sign3A_23 = arith.extui %sign3A_22 : i1 to i32
    %sign3A_24 = arith.constant 0 : i32
    %sign3A_25 = arith.cmpi slt, %jit3A, %sign3A_24 : i32
    %sign3A_26 = arith.extui %sign3A_25 : i1 to i32
    %sign3A_27 = arith.subi %sign3A_23, %sign3A_26 : i32
    %ne3A = vector.broadcast %sign3A_27 : i32 to vector<512x14xi32>
    %ne3A_28 = arith.cmpi ne, %sign3A_20, %ne3A : vector<512x14xi32>
    %rem3A = vector.broadcast %jit3A : i32 to vector<512x14xi32>
    %rem3A_29 = arith.remsi %get3A_11, %rem3A : vector<512x14xi32>
    %ne3A_30 = arith.constant 0 : i32
    %ne3A_31 = vector.broadcast %ne3A_30 : i32 to vector<512x14xi32>
    %ne3A_32 = arith.cmpi ne, %rem3A_29, %ne3A_31 : vector<512x14xi32>
    %and3A = arith.andi %ne3A_28, %ne3A_32 : vector<512x14xi1>
    %sub3A = arith.constant 1 : i32
    %sub3A_33 = vector.broadcast %sub3A : i32 to vector<512x14xi32>
    %sub3A_34 = arith.subi %div3A_12, %sub3A_33 : vector<512x14xi32>
    %select_n3A = arith.select %and3A, %sub3A_34, %div3A_12 : vector<512x14xi1>, vector<512x14xi32>
    %mul3A = arith.constant 14 : i32
    %mul3A_35 = vector.broadcast %mul3A : i32 to vector<512x14xi32>
    %mul3A_36 = arith.muli %select_n3A, %mul3A_35 : vector<512x14xi32>
    %sub3A_37 = arith.subi %get3A_11, %mul3A_36 : vector<512x14xi32>
    %get3A_38 = arith.constant 0 : index
    %get3A_39 = arith.constant 0 : index
    %get3A_40 = vector.load %arg3[%get3A_38, %get3A_39] : memref<512x14xf32, #tpu.memory_space<vmem>>, vector<512x14xf32>
    %get3A_41 = arith.constant 0 : index
    %get3A_42 = arith.constant 0 : index
    %get3A_43 = vector.load %arg4[%get3A_41, %get3A_42] : memref<512x14xf32, #tpu.memory_space<vmem>>, vector<512x14xf32>
    %get3A_44 = arith.constant 0 : index
    %get3A_45 = arith.constant 0 : index
    %get3A_46 = vector.load %arg5[%get3A_44, %get3A_45] : memref<512x14xf32, #tpu.memory_space<vmem>>, vector<512x14xf32>
    %get3A_47 = arith.constant 0 : index
    %get3A_48 = arith.constant 0 : index
    %get3A_49 = vector.load %arg6[%get3A_47, %get3A_48] : memref<512x14xf32, #tpu.memory_space<vmem>>, vector<512x14xf32>
    %mul3A_50 = arith.constant 1.400000e+01 : f32
    %mul3A_51 = vector.broadcast %mul3A_50 : f32 to vector<512x14xf32>
    %mul3A_52 = arith.mulf %get3A_40, %mul3A_51 : vector<512x14xf32>
    %convert_element_type3A = arith.fptosi %mul3A_52 : vector<512x14xf32> to vector<512x14xi32>
    %mul3A_53 = arith.constant 1.400000e+01 : f32
    %mul3A_54 = vector.broadcast %mul3A_53 : f32 to vector<512x14xf32>
    %mul3A_55 = arith.mulf %get3A_43, %mul3A_54 : vector<512x14xf32>
    %convert_element_type3A_56 = arith.fptosi %mul3A_55 : vector<512x14xf32> to vector<512x14xi32>
    %eq3A = arith.constant 1.000000e+00 : f32
    %eq3A_57 = vector.broadcast %eq3A : f32 to vector<512x14xf32>
    %eq3A_58 = arith.cmpf oeq, %get3A_46, %eq3A_57 : vector<512x14xf32>
    %ge3A = arith.constant 0 : i32
    %ge3A_59 = vector.broadcast %ge3A : i32 to vector<512x14xi32>
    %ge3A_60 = arith.cmpi sge, %convert_element_type3A, %ge3A_59 : vector<512x14xi32>
    %le3A = arith.constant 13 : i32
    %le3A_61 = vector.broadcast %le3A : i32 to vector<512x14xi32>
    %le3A_62 = arith.cmpi sle, %convert_element_type3A, %le3A_61 : vector<512x14xi32>
    %and3A_63 = arith.andi %ge3A_60, %le3A_62 : vector<512x14xi1>
    %ge3A_64 = arith.constant 0 : i32
    %ge3A_65 = vector.broadcast %ge3A_64 : i32 to vector<512x14xi32>
    %ge3A_66 = arith.cmpi sge, %convert_element_type3A_56, %ge3A_65 : vector<512x14xi32>
    %and3A_67 = arith.andi %and3A_63, %ge3A_66 : vector<512x14xi1>
    %le3A_68 = arith.constant 13 : i32
    %le3A_69 = vector.broadcast %le3A_68 : i32 to vector<512x14xi32>
    %le3A_70 = arith.cmpi sle, %convert_element_type3A_56, %le3A_69 : vector<512x14xi32>
    %and3A_71 = arith.andi %and3A_67, %le3A_70 : vector<512x14xi1>
    %not3A = arith.constant dense<true> : vector<512x14xi1>
    %not3A_72 = arith.xori %and3A_71, %not3A : vector<512x14xi1>
    %and3A_73 = arith.andi %eq3A_58, %not3A_72 : vector<512x14xi1>
    %and3A_74 = arith.andi %eq3A_58, %and3A_71 : vector<512x14xi1>
    %jit3A_75 = arith.constant 0.000000e+00 : f32
    %broadcast_in_dim3A = vector.broadcast %jit3A_75 : f32 to vector<512x14xf32>
    %select_n3A_76 = arith.select %and3A_73, %broadcast_in_dim3A, %get3A_46 : vector<512x14xi1>, vector<512x14xf32>
    %jit3A_77 = arith.constant 0.000000e+00 : f32
    %broadcast_in_dim3A_78 = vector.broadcast %jit3A_77 : f32 to vector<512x14xf32>
    %select_n3A_79 = arith.select %and3A_73, %broadcast_in_dim3A_78, %get3A_49 : vector<512x14xi1>, vector<512x14xf32>
    %convert_element_type3A_80 = arith.sitofp %sub3A_37 : vector<512x14xi32> to vector<512x14xf32>
    %add3A = arith.addf %get3A_3, %convert_element_type3A_80 : vector<512x14xf32>
    %mul3A_81 = arith.constant 0.0714285746 : f32
    %mul3A_82 = vector.broadcast %mul3A_81 : f32 to vector<512x14xf32>
    %mul3A_83 = arith.mulf %add3A, %mul3A_82 : vector<512x14xf32>
    %convert_element_type3A_84 = arith.sitofp %select_n3A : vector<512x14xi32> to vector<512x14xf32>
    %add3A_85 = arith.addf %get3A_8, %convert_element_type3A_84 : vector<512x14xf32>
    %mul3A_86 = arith.constant 0.0714285746 : f32
    %mul3A_87 = vector.broadcast %mul3A_86 : f32 to vector<512x14xf32>
    %mul3A_88 = arith.mulf %add3A_85, %mul3A_87 : vector<512x14xf32>
    %sub3A_89 = arith.subf %mul3A_83, %get3A_40 : vector<512x14xf32>
    %mul3A_90 = arith.mulf %sub3A_89, %select_n3A_76 : vector<512x14xf32>
    %sub3A_91 = arith.subf %mul3A_88, %get3A_43 : vector<512x14xf32>
    %mul3A_92 = arith.mulf %sub3A_91, %select_n3A_79 : vector<512x14xf32>
    %mul3A_93 = arith.mulf %mul3A_90, %mul3A_90 : vector<512x14xf32>
    %mul3A_94 = arith.mulf %mul3A_92, %mul3A_92 : vector<512x14xf32>
    %add3A_95 = arith.addf %mul3A_93, %mul3A_94 : vector<512x14xf32>
    %reduce_sum3A = vector.shape_cast %add3A_95 : vector<512x14xf32> to vector<1x512x14xf32>
    %reduce_sum3A_96 = arith.constant dense<0.000000e+00> : vector<1xf32>
    %reduce_sum3A_97 = vector.multi_reduction <add>, %reduce_sum3A, %reduce_sum3A_96 [1, 2] : vector<1x512x14xf32> to vector<1xf32>
    %reduce_sum3A_98 = vector.shape_cast %reduce_sum3A_97 : vector<1xf32> to vector<1x1x1xf32>
    %reduce_sum3A_99 = vector.extract %reduce_sum3A_98[0, 0, 0] : f32 from vector<1x1x1xf32>
    %convert_element_type3A_100 = arith.extui %and3A_74 : vector<512x14xi1> to vector<512x14xi32>
    %convert_element_type3A_101 = arith.sitofp %convert_element_type3A_100 : vector<512x14xi32> to vector<512x14xf32>
    %reduce_sum3A_102 = vector.shape_cast %convert_element_type3A_101 : vector<512x14xf32> to vector<1x512x14xf32>
    %reduce_sum3A_103 = arith.constant dense<0.000000e+00> : vector<1xf32>
    %reduce_sum3A_104 = vector.multi_reduction <add>, %reduce_sum3A_102, %reduce_sum3A_103 [1, 2] : vector<1x512x14xf32> to vector<1xf32>
    %reduce_sum3A_105 = vector.shape_cast %reduce_sum3A_104 : vector<1xf32> to vector<1x1x1xf32>
    %reduce_sum3A_106 = vector.extract %reduce_sum3A_105[0, 0, 0] : f32 from vector<1x1x1xf32>
    %add3A_107 = arith.addf %select_n3A_76, %select_n3A_79 : vector<512x14xf32>
    %reduce_sum3A_108 = vector.shape_cast %add3A_107 : vector<512x14xf32> to vector<1x512x14xf32>
    %reduce_sum3A_109 = arith.constant dense<0.000000e+00> : vector<1xf32>
    %reduce_sum3A_110 = vector.multi_reduction <add>, %reduce_sum3A_108, %reduce_sum3A_109 [1, 2] : vector<1x512x14xf32> to vector<1xf32>
    %reduce_sum3A_111 = vector.shape_cast %reduce_sum3A_110 : vector<1xf32> to vector<1x1x1xf32>
    %reduce_sum3A_112 = vector.extract %reduce_sum3A_111[0, 0, 0] : f32 from vector<1x1x1xf32>
    %eq3A_113 = arith.constant 0 : i32
    %eq3A_114 = arith.cmpi eq, %arg0, %eq3A_113 : i32
    %convert_element_type3A_115 = arith.extui %eq3A_114 : i1 to i32
    %cond3A = arith.constant 0 : i32
    %cond3A_116 = arith.cmpi ne, %convert_element_type3A_115, %cond3A : i32
    scf.if %cond3A_116 {
      %swap3A = arith.constant 0 : index
      %swap3A_127 = memref.load %arg9[%swap3A] : memref<3xf32, #tpu.memory_space<smem>>
      memref.store %reduce_sum3A_99, %arg9[%swap3A] : memref<3xf32, #tpu.memory_space<smem>>
      %swap3A_128 = arith.constant 1 : index
      %swap3A_129 = memref.load %arg9[%swap3A_128] : memref<3xf32, #tpu.memory_space<smem>>
      memref.store %reduce_sum3A_106, %arg9[%swap3A_128] : memref<3xf32, #tpu.memory_space<smem>>
      %swap3A_130 = arith.constant 2 : index
      %swap3A_131 = memref.load %arg9[%swap3A_130] : memref<3xf32, #tpu.memory_space<smem>>
      memref.store %reduce_sum3A_112, %arg9[%swap3A_130] : memref<3xf32, #tpu.memory_space<smem>>
    } else {
    }
    %ne3A_117 = arith.constant 0 : i32
    %ne3A_118 = arith.cmpi ne, %arg0, %ne3A_117 : i32
    %convert_element_type3A_119 = arith.extui %ne3A_118 : i1 to i32
    %cond3A_120 = arith.constant 0 : i32
    %cond3A_121 = arith.cmpi ne, %convert_element_type3A_119, %cond3A_120 : i32
    scf.if %cond3A_121 {
      %get3A_127 = arith.constant 0 : index
      %get3A_128 = memref.load %arg9[%get3A_127] : memref<3xf32, #tpu.memory_space<smem>>
      %add3A_129 = arith.addf %get3A_128, %reduce_sum3A_99 : f32
      %swap3A = arith.constant 0 : index
      %swap3A_130 = memref.load %arg9[%swap3A] : memref<3xf32, #tpu.memory_space<smem>>
      memref.store %add3A_129, %arg9[%swap3A] : memref<3xf32, #tpu.memory_space<smem>>
      %get3A_131 = arith.constant 1 : index
      %get3A_132 = memref.load %arg9[%get3A_131] : memref<3xf32, #tpu.memory_space<smem>>
      %add3A_133 = arith.addf %get3A_132, %reduce_sum3A_106 : f32
      %swap3A_134 = arith.constant 1 : index
      %swap3A_135 = memref.load %arg9[%swap3A_134] : memref<3xf32, #tpu.memory_space<smem>>
      memref.store %add3A_133, %arg9[%swap3A_134] : memref<3xf32, #tpu.memory_space<smem>>
      %get3A_136 = arith.constant 2 : index
      %get3A_137 = memref.load %arg9[%get3A_136] : memref<3xf32, #tpu.memory_space<smem>>
      %add3A_138 = arith.addf %get3A_137, %reduce_sum3A_112 : f32
      %swap3A_139 = arith.constant 2 : index
      %swap3A_140 = memref.load %arg9[%swap3A_139] : memref<3xf32, #tpu.memory_space<smem>>
      memref.store %add3A_138, %arg9[%swap3A_139] : memref<3xf32, #tpu.memory_space<smem>>
    } else {
    }
    %eq3A_122 = arith.constant 7 : i32
    %eq3A_123 = arith.cmpi eq, %arg0, %eq3A_122 : i32
    %convert_element_type3A_124 = arith.extui %eq3A_123 : i1 to i32
    %cond3A_125 = arith.constant 0 : i32
    %cond3A_126 = arith.cmpi ne, %convert_element_type3A_124, %cond3A_125 : i32
    scf.if %cond3A_126 {
      %get3A_127 = arith.constant 0 : index
      %get3A_128 = arith.constant 0 : index
      %get3A_129 = vector.load %arg7[%get3A_127, %get3A_128] : memref<1x1xf32, #tpu.memory_space<vmem>>, vector<1x1xf32>
      %get3A_130 = arith.constant 1 : index
      %get3A_131 = memref.load %arg9[%get3A_130] : memref<3xf32, #tpu.memory_space<smem>>
      %div3A_132 = vector.broadcast %get3A_131 : f32 to vector<1x1xf32>
      %div3A_133 = arith.divf %get3A_129, %div3A_132 : vector<1x1xf32>
      %get3A_134 = arith.constant 0 : index
      %get3A_135 = memref.load %arg9[%get3A_134] : memref<3xf32, #tpu.memory_space<smem>>
      %get3A_136 = arith.constant 2 : index
      %get3A_137 = memref.load %arg9[%get3A_136] : memref<3xf32, #tpu.memory_space<smem>>
      %mul3A_138 = arith.constant 5.000000e-01 : f32
      %mul3A_139 = arith.mulf %get3A_137, %mul3A_138 : f32
      %div3A_140 = arith.divf %get3A_135, %mul3A_139 : f32
      %broadcast_in_dim3A_141 = vector.broadcast %div3A_140 : f32 to vector<1x1xf32>
      %add3A_142 = arith.addf %div3A_133, %broadcast_in_dim3A_141 : vector<1x1xf32>
      %swap3A = arith.constant 0 : index
      %swap3A_143 = arith.constant 0 : index
      %swap3A_144 = vector.load %arg8[%swap3A, %swap3A_143] : memref<1x1xf32, #tpu.memory_space<vmem>>, vector<1x1xf32>
      tpu.vector_store %arg8[%swap3A, %swap3A_143], %add3A_142 {strides = array<i32>} : memref<1x1xf32, #tpu.memory_space<vmem>>, vector<1x1xf32>,
    } else {
    }
    return
  }
  func.func @transform_0(%arg0: i32) -> (i32, i32, i32) {
    %c0_i32 = arith.constant 0 : i32
    %c0_i32_0 = arith.constant 0 : i32
    %c0_i32_1 = arith.constant 0 : i32
    return %c0_i32, %arg0, %c0_i32_0 : i32, i32, i32
  }
  func.func @transform_1(%arg0: i32) -> (i32, i32) {
    %c0_i32 = arith.constant 0 : i32
    %c0_i32_0 = arith.constant 0 : i32
    return %arg0, %c0_i32 : i32, i32
  }
  func.func @transform_2(%arg0: i32) -> (i32, i32) {
    %c0_i32 = arith.constant 0 : i32
    %c0_i32_0 = arith.constant 0 : i32
    return %arg0, %c0_i32 : i32, i32
  }
  func.func @transform_3(%arg0: i32) -> (i32, i32) {
    %c0_i32 = arith.constant 0 : i32
    %c0_i32_0 = arith.constant 0 : i32
    return %arg0, %c0_i32 : i32, i32
  }
  func.func @transform_4(%arg0: i32) -> (i32, i32) {
    %c0_i32 = arith.constant 0 : i32
    %c0_i32_0 = arith.constant 0 : i32
    return %arg0, %c0_i32 : i32, i32
  }
  func.func @transform_5(%arg0: i32) -> (i32, i32) {
    %c0_i32 = arith.constant 0 : i32
    %c0_i32_0 = arith.constant 0 : i32
    return %arg0, %c0_i32 : i32, i32
  }
  func.func @transform_6(%arg0: i32) -> (i32, i32) {
    %c0_i32 = arith.constant 0 : i32
    %c0_i32_0 = arith.constant 0 : i32
    %c0_i32_1 = arith.constant 0 : i32
    return %c0_i32, %c0_i32_0 : i32, i32
  }
  func.func @transform_7(%arg0: i32) -> (i32, i32) {
    %c0_i32 = arith.constant 0 : i32
    %c0_i32_0 = arith.constant 0 : i32
    %c0_i32_1 = arith.constant 0 : i32
    return %c0_i32, %c0_i32_0 : i32, i32
  }
}

</mosaic_0001>

<sc_bundles>
// kernel: kernel.5.cloned.1.call-start
scs
__scs_entry_jumppad:
0x0: {  	(pc) =	sbr.rel $0x88, $3  }
0x1: {  	(tag) =	ssettag $0x0;
	lr =	simm.s32 $0x1  }
0x2: {  	[smem:$0x3F9E] =	sst lr;
	_ =	strace $0xD0000000  }
0x3: {  	_ = 	snop  }
0x4: {  	_ = 	snop  }
0x5: {  	_ = 	snop  }
0x6: {  	_ = 	snop  }
0x7: {  	_ = 	snop  }
__scs_overlays_trampoline_lowered:
0x8: {  	[smem:$0x3FAD] =	sst s0  }
0x9: {  	[smem:$0x3FAE] =	sst s1  }
0xa: {  	[smem:$0x3FAF] =	sst s2  }
0xb: {  	[smem:$0x3FB0] =	sst s3  }
0xc: {  	[smem:$0x3FB1] =	sst s4  }
0xd: {  	[smem:$0x3FB2] =	sst s5  }
0xe: {  	[smem:$0x3FB3] =	sst s6  }
0xf: {  	[smem:$0x3FB4] =	sst s7  }
0x10: {  	[smem:$0x3FB5] =	sst s8  }
0x11: {  	[smem:$0x3FB6] =	sst s9;
	s0 =	simm.s32 @!p0 $0x0  }
0x12: {  	s1 =	sld [smem:$0x3F9C];
	s0 =	simm.s32 @p0 $0x1  }
0x13: {  	[smem:$0x3FB7] =	sst s0;
	s0 =	simm.s32 @!p1 $0x0  }
0x14: {  	s2 =	sld [smem:$0x3F9B];
	s0 =	simm.s32 @p1 $0x1  }
0x15: {  	[smem:$0x3FB8] =	sst s0;
	s0 =	simm.s32 @!p2 $0x0  }
0x16: {  	s3 =	sld [smem:$0x3FDB];
	s0 =	simm.s32 @p2 $0x1  }
0x17: {  	s4 =	simm.s32 $0x1BF5;
	[smem:$0x3FBA] =	sst s0  }
0x18: {  	s0 =	sld [smem:$0x3F9D];
	_ =	swait.ge [sflag:s4], $0x0  }
0x19: {  	s7 =	sld [smem:$0x3F9E]  }
0x1a: {  	s8 =	sadd.s32 $0xFFFFE003, lr  }
0x1b: {  	s9 =	sadd.s32 $0xFFFFFEF7, lr;
	s5 =	simm.s32 $0xFFFFFFFF;
	p2 =	slt.u32 s8, $0xFFFFF086  }
0x1c: {  	p1 =	slt.u32 s9, $0xF7A;
	s5 =	simm.s32 @!p2 $0x0  }
0x1d: {  	s5 =	simm.s32 @p1 $0x1;
	p0 =	seq.s32 s7, s2  }
0x1e: {  	s7 =	smul.u32 @!p0 $0xF7A, s2;
	p2 =	seq.s32 @!p0 s5, $0x0  }
0x1f: {  	s9 =	smul.u32 $0xF7A, s1;
	s8 =	simm.s32 @!p0 $0x1BF5;
	p2 =	por !p2, p0  }
0x20: {  	[sflag:s8] =	ssyncset.s32 @!p0 $0xFFFFF086;
	s6 =	sadd.s32 @!p0 s3, s7;
	s7 =	simm.s32 @!p0 $0x108  }
0x21: {  	s3 =	sadd.s32 s3, s9;
	s6 =	sadd.s32 @!p0 $0x88, s6;
	s7 =	simm.s32 @p2 $0x1082  }
0x22: {  	[simem:s7], [sflag:s8] =	dma.local @!p0 [hbm:s6], $0xF7A  }
0x23: {  	s9 =	sor.u32 $0xD0000000, s2;
	s6 =	simm.s32 $0x108;
	_ =	swait.ge @!p0 [sflag:s8], $0x0  }
0x24: {  	s3 =	sadd.s32 $0x88, s3;
	s6 =	simm.s32 @!p1 $0x1082;
	[sflag:s4] =	ssyncset.s32 $0xFFFFF086  }
0x25: {  	[simem:s6], [sflag:s4] =	dma.local [hbm:s3], $0xF7A  }
0x26: {  	[smem:$0x3F9E] =	sst s1;
	(tag) =	ssettag s2;
	_ =	strace s9  }
0x27: {  	s1 =	sld [smem:$0x3FAE]  }
0x28: {  	s2 =	sld [smem:$0x3FAF]  }
0x29: {  	s4 =	sld [smem:$0x3FB1]  }
0x2a: {  	p0 =	seq.s32 s5, $0x0;
	s5 =	sld [smem:$0x3FB2]  }
0x2b: {  	s6 =	sld [smem:$0x3FB3]  }
0x2c: {  	s7 =	sld [smem:$0x3FB4]  }
0x2d: {  	s3 =	simm.s32 $0x108;
	s8 =	sld [smem:$0x3FB5]  }
0x2e: {  	s3 =	simm.s32 @!p0 $0x1082;
	s9 =	sld [smem:$0x3FB6]  }
0x2f: {  	lr =	sadd.s32 s0, s3;
	s0 =	sld [smem:$0x3FAD]  }
0x30: {  	s3 =	sld [smem:$0x3FB0]  }
0x31: {  	[smem:$0x3FB9] =	sst s10  }
0x32: {  	s10 =	sld [smem:$0x3FB7];
	_ =	sdelay $0x3  }
0x33: {  	p0 =	seq.s32 s10, $0x1;
	s10 =	sld [smem:$0x3FB9];
	_ =	sdelay $0x3  }
0x34: {  	[smem:$0x3FB9] =	sst s10  }
0x35: {  	s10 =	sld [smem:$0x3FB8];
	_ =	sdelay $0x3  }
0x36: {  	p1 =	seq.s32 s10, $0x1;
	s10 =	sld [smem:$0x3FB9];
	_ =	sdelay $0x3  }
0x37: {  	[smem:$0x3FB9] =	sst s10  }
0x38: {  	s10 =	sld [smem:$0x3FBA]  }
0x39: {  	_ = 	snop;
	(pc) =	sbr.ind lr, $3  }
0x3a: {  	_ = 	snop  }
0x3b: {  	_ = 	snop  }
0x3c: {  	p2 =	seq.s32 s10, $0x1;
	s10 =	sld [smem:$0x3FB9]  }
0x3d: {  	_ =	shalt  }
0x3e: {  	_ =	shalt  }
0x3f: {  	_ =	shalt  }
0x40: {  	_ =	shalt  }
0x41: {  	_ =	shalt  }
0x42: {  	_ =	shalt  }
0x43: {  	_ =	shalt  }
0x44: {  	_ =	shalt  }
0x45: {  	_ =	shalt  }
0x46: {  	_ =	shalt  }
0x47: {  	_ =	shalt  }
0x48: {  	_ =	shalt  }
0x49: {  	_ =	shalt  }
0x4a: {  	_ =	shalt  }
0x4b: {  	_ =	shalt  }
0x4c: {  	_ =	shalt  }
0x4d: {  	_ =	shalt  }
0x4e: {  	_ =	shalt  }
0x4f: {  	_ =	shalt  }
0x50: {  	_ =	shalt  }
0x51: {  	_ =	shalt  }
0x52: {  	_ =	shalt  }
0x53: {  	_ =	shalt  }
0x54: {  	_ =	shalt  }
0x55: {  	_ =	shalt  }
0x56: {  	_ =	shalt  }
0x57: {  	_ =	shalt  }
0x58: {  	_ =	shalt  }
0x59: {  	_ =	shalt  }
0x5a: {  	_ =	shalt  }
0x5b: {  	_ =	shalt  }
0x5c: {  	_ =	shalt  }
0x5d: {  	_ =	shalt  }
0x5e: {  	_ =	shalt  }
0x5f: {  	_ =	shalt  }
0x60: {  	_ =	shalt  }
0x61: {  	_ =	shalt  }
0x62: {  	_ =	shalt  }
0x63: {  	_ =	shalt  }
0x64: {  	_ =	shalt  }
0x65: {  	_ =	shalt  }
0x66: {  	_ =	shalt  }
0x67: {  	_ =	shalt  }
0x68: {  	_ =	shalt  }
0x69: {  	_ =	shalt  }
0x6a: {  	_ =	shalt  }
0x6b: {  	_ =	shalt  }
0x6c: {  	_ =	shalt  }
0x6d: {  	_ =	shalt  }
0x6e: {  	_ =	shalt  }
0x6f: {  	_ =	shalt  }
0x70: {  	_ =	shalt  }
0x71: {  	_ =	shalt  }
0x72: {  	_ =	shalt  }
0x73: {  	_ =	shalt  }
0x74: {  	_ =	shalt  }
0x75: {  	_ =	shalt  }
0x76: {  	_ =	shalt  }
0x77: {  	_ =	shalt  }
0x78: {  	_ =	shalt  }
0x79: {  	_ =	shalt  }
0x7a: {  	_ =	shalt  }
0x7b: {  	_ =	shalt  }
0x7c: {  	_ =	shalt  }
0x7d: {  	_ =	shalt  }
0x7e: {  	_ =	shalt  }
0x7f: {  	_ =	shalt  }
0x80: {  	_ =	shalt  }
0x81: {  	_ =	shalt  }
0x82: {  	_ =	shalt  }
0x83: {  	_ =	shalt  }
0x84: {  	_ =	shalt  }
0x85: {  	_ =	shalt  }
0x86: {  	_ =	shalt  }
0x87: {  	_ =	shalt  }
.Lfunc_end0:
.L_simem_size_0:
called_computation_lowered:
.L_overlay_start_0:
0x88: {  	s2 =	sld [smem:$0x3FD9]  }
0x89: {  	s3 =	sld [smem:$0x3FFE];
	_ =	sdelay $0x1  }
0x8a: {  	s1 =	srdreg.scid  }
0x8b: {  	s0 =	sand.u32 $0x1, s1  }
0x8c: {  	s16 =	sshll.u32 s0, $0xA;
	s2 =	sadd.s32 s3, s2  }
0x8d: {  	s2 =	sadd.s32 s2, s16  }
0x8e: {  	[smem:$0x3FC5] =	sst s2  }
0x8f: {  	_ = 	snop  }
0x90: {  	(tm) =	ssettm $0x1  }
0x91: {  	s17 =	sld [smem:$0x3FFB];
	_ =	sdelay $0x3  }
0x92: {  	_ =	strace s17  }
0x93: {  	s2 =	sld [smem:$0x3FFC];
	_ =	sdelay $0x3  }
0x94: {  	_ =	strace s2  }
0x95: {  	s2 =	sld [smem:$0x3FFD];
	_ =	sdelay $0x3  }
0x96: {  	_ =	strace s2  }
0x97: {  	_ =	strace $0x8FFFFFFF  }
0x98: {  	s18 =	sld [smem:$0x3FDB];
	_ =	sdelay $0x1  }
0x99: {  	s19 =	simm.s32 $_scs_section_size  }
0x9a: {  	s4 =	simm.s32 $_size__tile_overlayer_lowered;
	s5 =	simm.s32 $_tile_overlayer_lowered  }
0x9b: {  	s22 =	simm.s32 $0x1BFF;
	s21 =	sshll.u32 s5, $0x1;
	s2 =	sadd.s32 s19, s18  }
0x9c: {  	s6 =	simm.s32 $0x0;
	s20 =	sshll.u32 s4, $0x1;
	s4 =	sadd.s32 s21, s2  }
0x9d: {  	[timem:s6], [sflag:s22] =	dma.local [hbm:s4], s20  }
0x9e: {  	_ =	swait.ge [sflag:s22], s20  }
0x9f: {  	s3 =	ssub.s32 $0x0, s20;
	[sflag:s22] =	ssyncset.done $0x0  }
0xa0: {  	[sflag:s22] =	ssyncadd.s32 s3;
	_ =	sdelay $0x1  }
0xa1: {  	s23 =	simm.s32 $0x1B8B  }
0xa2: {  	_ =	swait.ge [sflag:s23], $0x1  }
0xa3: {  	[sflag:s23] =	ssyncset.done $0x0  }
0xa4: {  	s25 =	simm.s32 $0x1B8E;
	s24 =	sld [smem:$0x3FFE];
	[sflag:s23] =	ssyncadd.s32 $0xFFFFFFFF  }
0xa5: {  	s26 =	simm.s32 $execute0_lowered;
	[smem:$0x3FD2] =	sst s25  }
0xa6: {  	s4 =	sshll.u32 s26, $0x1;
	_ =	strace $0x80000046;
	[dreg:$0x1] =	wrdreg $0xFFFFFFFF  }
0xa7: {  	s28 =	simm.s32 $_size_execute0_lowered;
	s2 =	sadd.s32 s2, s4;
	[dreg:$0x0] =	wrdreg $0x0  }
0xa8: {  	s4 =	sshll.u32 s28, $0x1;
	[dreg:$0x2] =	wrdreg s2  }
0xa9: {  	[dreg:$0x3] =	wrdreg s4  }
0xaa: {  	[dreg:$0x4] =	wrdreg $0xC0  }
0xab: {  	_ =	task [dreg:s6], $0x5FFFF  }
0xac: {  	[dreg:$0x1] =	wrdreg $0xFFFFFFFF  }
0xad: {  	[dreg:$0x0] =	wrdreg $0x60  }
0xae: {  	[dreg:$0x2] =	wrdreg s24  }
0xaf: {  	[dreg:$0x3] =	wrdreg $0x9  }
0xb0: {  	_ =	task.clear_ibuf [dreg:s6], $0x4FFFF;
	_ =	strace $0x90000046  }
0xb1: {  	s29 =	simm.s32 $0x9;
	_ =	strace $0x80000048  }
0xb2: {  	_ =	swait.ge [sflag:s29], $0x1  }
0xb3: {  	[sflag:s29] =	ssyncadd.s32 $0xFFFFFFFF  }
0xb4: {  	_ =	strace $0x90000048  }
0xb5: {  	_ =	sfence  }
0xb6: {  	s30 =	sld [smem:$0x0];
	_ =	sdelay $0x2  }
0xb7: {  	s31 =	sshll.u32 s1, $0xD;
	s1 =	sshrl.u32 s1, $0x2  }
0xb8: {  	s3 =	sand.u32 $0x4000, s31;
	s1 =	sadd.s32 s1, s30  }
0xb9: {  	s0 =	sor.u32 s3, s0;
	s1 =	sshll.u32 s1, $0x11  }
0xba: {  	s0 =	sor.u32 s1, s0  }
0xbb: {  	s0 =	sadd.s32 $0x8F2B, s0  }
0xbc: {  	[sflag:s0] =	ssyncadd.remote.s32 $0x1  }
0xbd: {  	_ =	sfence.sel $0xFFFF  }
0xbe: {  	[dreg:$0x0] =	wrdreg $0xFFFFFFFF;
	(pc) =	sbr.abs _section_cstart, $3  }
0xbf: {  	[dreg:$0x1] =	wrdreg $0xFFFFFFFF  }
0xc0: {  	_ =	task.clear_ibuf [dreg:s6], $0x2FFFF;
	_ =	strace $0x9FFFFFFF  }
0xc1: {  	(tm) =	ssettm $0x7FFFFFFF  }
tec
execute0_lowered:
.L_overlay_start_1:
0x0: {  	(tag) =	ssettag $0x1  }
0x1: {  	s6 =	rddreg [dreg:$0x0]  }
0x2: {  	s0 =	rddreg [dreg:$0x1];
	s1 =	simm.s32 $0x0  }
0x3: {  	s4 =	srdreg.scid;
	s2 =	stileid.u32;
	s11 =	simm.s32 $0x1  }
0x4: {  	s12 =	simm.s32 $0x4100;
	s13 =	simm.s32 $0x0;
	[smem:$0x7FF] =	sst s1  }
0x5: {  	s3 =	sadd.s32 $0x2E1BA00, s6;
	s7 =	sand.u32 $0x1, s4;
	s4 =	sadd.s32 $0x1800, s6  }
0x6: {  	s9 =	sshll.u32 s2, $0x1;
	s5 =	sadd.s32 $0x5000, s6;
	s8 =	ssub.s32 $0x2, s7  }
0x7: {  	s6 =	sadd.s32 $0x8800, s6;
	_ =	strace $0x80000047;
	s10 =	sshrl.u32 s8, $0x1  }
0x8: {  	v0 =	vlaneseq.u32;
	s7 =	sor.u32 s7, s9;
	s9 =	simm.s32 $0x2;
	s8 =	ssub.s32 s8, s10  }
0x9: {  	v0 =	vmul.u32 $0x80, v0;
	s7 =	smul.u32 $0x1C, s7;
	s10 =	simm.s32 $0x100;
	s8 =	smax.u32 s8, $0x1  }
.LBB2_1:
0xa: {  	s14 =	simm.s32 $0x0  }
.LBB2_2:
0xb: {  	s15 =	sadd.s32 s7, s14  }
0xc: {  	s15 =	sshll.u32 s15, $0x4  }
0xd: {  	s17 =	simm.s32 $0x0;
	s16 =	sadd.s32 s4, s15  }
0xe: {  	[tilespmem:s17], [sflag:$0x2] =	stream.linear.gather [hbm4b:s16+s17], $0x80, $0x38;
	[tilespmem:$0x4180] =	vst v63  }
0xf: {  	_ =	swait.ge [sflag:s9], $0x80  }
0x10: {  	[sflag:s9] =	ssyncset.done $0x0  }
0x11: {  	s18 =	simm.s32 $0x80;
	s31 =	sadd.s32 s5, s15;
	[sflag:s9] =	ssyncadd.s32 $0xFFFFFF80  }
0x12: {  	[tilespmem:s18], [sflag:$0x2] =	stream.linear.gather [hbm4b:s31+s17], $0x80, $0x38;
	[tilespmem:$0x4180] =	vst v63  }
0x13: {  	_ =	swait.ge [sflag:s9], $0x80  }
0x14: {  	[sflag:s9] =	ssyncset.done $0x0  }
0x15: {  	[sflag:s9] =	ssyncadd.s32 $0xFFFFFF80  }
0x16: {  	[tilespmem:s10], [sflag:$0x1] =	stream.indirect.gather [hbm4b:s3+s18], $0x80, s17, s18, $0xb8;
	[tilespmem:$0x4180] =	vst v63  }
0x17: {  	_ =	swait.ge [sflag:s11], $0x4000  }
0x18: {  	[sflag:s11] =	ssyncset.done $0x0  }
0x19: {  	[sflag:s11] =	ssyncadd.s32 $0xFFFFC000  }
0x1a: {  	v1 =	vld [tilespmem:s18+$0x0];
	_ =	sdelay $0x2  }
0x1b: {  	v2 =	vmov s17  }
0x1c: {  	v2 =	vshll.u32 v2, $0x7  }
0x1d: {  	v2 =	vor.u32 v0, v2;
	v3 =	vand.u32 $0xFFFFFF80, v1  }
0x1e: {  	v1 =	vand.u32 $0x7F, v1;
	v2 =	vadd.s32 v2, v3  }
0x1f: {  	v1 =	vor.u32 v1, v2;
	_ =	sdelay $0x4  }
0x20: {  	v1 =	vld.idx.msk [tilespmem:v1+s10+$0x0], $0xffff;
	_ =	sdelay $0x3  }
0x21: {  	s16 =	simm.s32 $0x4100  }
0x22: {  	s17 =	simm.s32 $0x90;
	[tilespmem:s16+$0x0] =	vst v1  }
0x23: {  	s19 =	simm.s32 $0x20;
	s18 =	simm.s32 $0x10;
	v1 =	vld [tilespmem:s17+$0x0]  }
.LBB2_3:
0x24: {  	p0 =	sne.s32 s19, $0x70;
	_ =	sdelay $0x1  }
0x25: {  	v2 =	vmov s18;
	s18 =	smov.u32 s19  }
0x26: {  	v2 =	vshll.u32 v2, $0x7  }
0x27: {  	v2 =	vor.u32 v0, v2;
	v3 =	vand.u32 $0xFFFFFF80, v1  }
0x28: {  	v1 =	vand.u32 $0x7F, v1;
	v2 =	vadd.s32 v2, v3  }
0x29: {  	v1 =	vor.u32 v1, v2;
	_ =	sdelay $0x4  }
0x2a: {  	v1 =	vld.idx.msk [tilespmem:v1+s10+$0x0], $0xffff;
	_ =	sdelay $0x2  }
.Ltmp0:
0x2b: {  	(pc) =	sbr.rel @p0 .LBB2_3-.Ltmp0, $4  }
0x2c: {  	_ = 	snop  }
0x2d: {  	s16 =	sadd.s32 $0x10, s16  }
0x2e: {  	s17 =	sadd.s32 $0x10, s17;
	[tilespmem:s16+$0x0] =	vst v1  }
0x2f: {  	s19 =	sadd.s32 $0x10, s19;
	v1 =	vld [tilespmem:s17+$0x0]  }
0x30: {  	_ =	sdelay $0x1  }
0x31: {  	v2 =	vmov s18  }
0x32: {  	v2 =	vshll.u32 v2, $0x7  }
0x33: {  	v2 =	vor.u32 v0, v2;
	v3 =	vand.u32 $0xFFFFFF80, v1  }
0x34: {  	v1 =	vand.u32 $0x7F, v1;
	v2 =	vadd.s32 v2, v3  }
0x35: {  	v1 =	vor.u32 v1, v2;
	_ =	sdelay $0x4  }
0x36: {  	v1 =	vld.idx.msk [tilespmem:v1+s10+$0x0], $0xffff;
	_ =	sdelay $0x2  }
0x37: {  	s14 =	sadd.s32 $0x1, s14  }
0x38: {  	s16 =	sadd.s32 $0x10, s16;
	p0 =	sne.s32 s14, $0x1C  }
.Ltmp1:
0x39: {  	s15 =	sadd.s32 s6, s15;
	[tilespmem:s16+$0x0] =	vst v1;
	(pc) =	sbr.rel @p0 .LBB2_2-.Ltmp1, $4  }
0x3a: {  	[hbm4b:s15+s1] =	stream.linear.scatter [tilespmem:s12], [sflag:$0x2], $0x80, $0x38;
	[tilespmem:$0x4180] =	vst v63  }
0x3b: {  	_ =	swait.ge [sflag:s9], $0x80  }
0x3c: {  	[sflag:s9] =	ssyncset.done $0x0  }
0x3d: {  	[sflag:s9] =	ssyncadd.s32 $0xFFFFFF80  }
0x3e: {  	s13 =	sadd.s32 $0x1, s13  }
0x3f: {  	p0 =	sne.s32 s13, s8  }
.Ltmp2:
0x40: {  	_ = 	snop;
	(pc) =	sbr.rel @p0 .LBB2_1-.Ltmp2, $1  }
0x41: {  	_ =	sdelay $0x3  }
0x42: {  	_ =	sfence.sel $0x180000  }
0x43: {  	[bflag:$0x0] =	sbarrier.arrive $0xFFFF  }
0x44: {  	p0 =	sne.s32 s2, $0x0;
	_ =	strace $0x90000047  }
0x45: {  	s0 =	sadd.s32 @!p0 $0x100000, s0;
	[bflag:$0x2] =	sbarrier.arrive $0xFFFF  }
0x46: {  	[sflag:s0] =	ssyncadd.tile.s32 @!p0 $0x1;
	_ =	shalt  }
.Lfunc_end2:
_tile_overlayer_lowered:
.L_overlay_start_2:
0x47: {  	(tag) =	ssettag $0x2  }
0x48: {  	s0 =	rddreg [dreg:$0x0];
	s2 =	stileid.u32  }
0x49: {  	s1 =	rddreg [dreg:$0x1];
	p0 =	sne.s32 s2, $0x0  }
0x4a: {  	s3 =	rddreg [dreg:$0x2];
	[bflag:$0x3] =	sbarrier.arrive $0xFFFF;
	s2 =	simm.s32 @!p0 $0x1C02  }
0x4b: {  	[timem:s3], [sflag:s2] =	dma.local @!p0 [hbm:s0], s1  }
0x4c: {  	s0 =	simm.s32 @!p0 $0x2  }
0x4d: {  	_ =	swait.ge @!p0 [sflag:s0], s1  }
0x4e: {  	s1 =	ssub.s32 @!p0 $0x0, s1;
	[sflag:s0] =	ssyncset.done @!p0 $0x0  }
0x4f: {  	[sflag:s0] =	ssyncadd.s32 @!p0 s1  }
0x50: {  	[bflag:$0x3] =	sbarrier.arrive $0xFFFF  }
0x51: {  	_ =	shalt  }

</sc_bundles>
